<compile_context>
chip_gen: v7x
topology: tpu7x:2x2x1
jax: 0.10.2.dev20260603
libtpu: 0.0.44.dev20260713+nightly
codegen_flags: <defaults>
</compile_context>

<pallas_src>
import functools

import jax
import jax.numpy as jnp
from jax import lax
from jax.experimental import pallas as pl
from jax.experimental.pallas import tpu as pltpu
from jax.experimental.pallas import tpu_sc as plsc

N = 10000
DEG = 32
DYN = 8
LAT = 128
HID = 16
E = N * DEG

NC = 2
NS = 16
NW = NC * NS

CHUNK = 125
EPT = E // NW
NCHUNK = EPT // CHUNK
NBUF = 10
NG = NCHUNK // NBUF
NPAD = -(-N // (NS * 8)) * NS * 8
ZROWS = NPAD // NS
OTILES = 10
OROWS = N // OTILES

_mesh = plsc.VectorSubcoreMesh(core_axis_name="c", subcore_axis_name="s")


@functools.partial(
    pl.kernel,
    out_type=jax.ShapeDtypeStruct((NC, N, HID), jnp.float32),
    mesh=_mesh,
    scratch_types=[
        pltpu.VMEM((NCHUNK, CHUNK), jnp.int32),
        pltpu.VMEM((NCHUNK, CHUNK), jnp.int32),
        pltpu.VMEM((NBUF, CHUNK, HID), jnp.float32),
        pltpu.VMEM((ZROWS, HID), jnp.float32),
        pltpu.VMEM_SHARED((NPAD, HID), jnp.float32),
        [pltpu.SemaphoreType.DMA] * NBUF,
        [pltpu.SemaphoreType.DMA] * NBUF,
    ],
    compiler_params=pltpu.CompilerParams(use_tc_tiling_on_sc=False),
)
def _sc_route(p_hbm, gidx_hbm, didx_hbm, out_hbm,
              gidx_v, didx_v, rows_v, zbuf_v, acc_sh, gsems, ssems):
    c = lax.axis_index("c")
    s = lax.axis_index("s")
    w = s * NC + c
    pltpu.sync_copy(gidx_hbm.at[w], gidx_v)
    pltpu.sync_copy(didx_hbm.at[w], didx_v)
    def zrow(r, carry):
        zbuf_v[r, :] = jnp.zeros((HID,), jnp.float32)
        return carry
    lax.fori_loop(0, ZROWS, zrow, 0)
    pltpu.sync_copy(zbuf_v, acc_sh.at[pl.ds(s * ZROWS, ZROWS)])
    plsc.subcore_barrier()

    def gather_start(j, b):
        pltpu.async_copy(p_hbm.at[gidx_v.at[j]], rows_v.at[b], gsems[b])

    def gather_wait(j, b):
        pltpu.make_async_copy(p_hbm.at[gidx_v.at[j]], rows_v.at[b],
                              gsems[b]).wait()

    def scat_start(j, b):
        pltpu.async_copy(rows_v.at[b], acc_sh.at[didx_v.at[j]], ssems[b],
                         add=True)

    def scat_wait(j, b):
        pltpu.make_async_copy(rows_v.at[b], acc_sh.at[didx_v.at[j]],
                              ssems[b]).wait()

    for b in range(NBUF):
        gather_start(b, b)

    def group(i, carry):
        j0 = i * NBUF
        for b in range(NBUF):
            gather_wait(j0 + b, b)
            scat_start(j0 + b, b)
        for b in range(NBUF):
            scat_wait(j0 + b, b)
            gather_start(j0 + NBUF + b, b)
        return carry

    lax.fori_loop(0, NG - 1, group, 0)

    jl = (NG - 1) * NBUF
    for b in range(NBUF):
        gather_wait(jl + b, b)
        scat_start(jl + b, b)
    for b in range(NBUF):
        scat_wait(jl + b, b)

    plsc.subcore_barrier()
    @pl.when(s < OTILES)
    def _():
        pltpu.sync_copy(acc_sh.at[pl.ds(s * OROWS, OROWS)],
                        out_hbm.at[c, pl.ds(s * OROWS, OROWS)])


def _mm_body(x_ref, w_ref, o_ref):
    o_ref[...] = jnp.dot(x_ref[...], w_ref[...],
                         preferred_element_type=jnp.float32)


_BN1 = 2000


def _project(pk_lat_out, w_cat):
    return pl.pallas_call(
        _mm_body,
        grid=(N // _BN1,),
        in_specs=[
            pl.BlockSpec((_BN1, LAT), lambda i: (i, 0)),
            pl.BlockSpec((LAT, DEG * HID), lambda i: (0, 0)),
        ],
        out_specs=pl.BlockSpec((_BN1, DEG * HID), lambda i: (i, 0)),
        out_shape=jax.ShapeDtypeStruct((N, DEG * HID), jnp.float32),
    )(pk_lat_out, w_cat)


PK = 8
NR = N // PK


def _tail_body(acc_ref, dyn_ref, c_ref, h_ref, wd_ref, bpre_ref, wih_ref,
               whh_ref, blstm_ref, wdyn_ref, bdyn_ref, wlat_ref, blat_ref,
               dyn_out_ref, lat_out_ref, cnew_ref, hnew_ref):
    acc = acc_ref[0] + acc_ref[1]
    predyn = jnp.dot(dyn_ref[...], wd_ref[...],
                     preferred_element_type=jnp.float32)
    pre = jnp.tanh(acc + predyn + bpre_ref[...])
    gates = (jnp.dot(pre, wih_ref[...], preferred_element_type=jnp.float32)
             + jnp.dot(h_ref[...], whh_ref[...],
                       preferred_element_type=jnp.float32)
             + blstm_ref[...])
    i_g = jax.nn.sigmoid(gates[:, 0:LAT])
    f_g = jax.nn.sigmoid(gates[:, LAT:2 * LAT])
    g_g = jnp.tanh(gates[:, 2 * LAT:3 * LAT])
    o_g = jax.nn.sigmoid(gates[:, 3 * LAT:4 * LAT])
    c_new = f_g * c_ref[...] + i_g * g_g
    h_new = o_g * jnp.tanh(c_new)
    cnew_ref[...] = c_new
    hnew_ref[...] = h_new
    dyn_out_ref[...] = (jnp.dot(h_new, wdyn_ref[...],
                                preferred_element_type=jnp.float32)
                        + bdyn_ref[...])
    lat_out_ref[...] = jnp.tanh(jnp.dot(h_new, wlat_ref[...],
                                        preferred_element_type=jnp.float32)
                                + blat_ref[...])


def _tail(acc, dyn_in, pk_lstm_c, pk_lstm_h, w_pre_dyn, b_pre, w_ih, w_hh,
          b_lstm, w_dyn, b_dyn, w_lat, b_lat):
    eye = jnp.eye(PK, dtype=jnp.float32)
    wd_bd = jnp.einsum('rc,kj->krjc', w_pre_dyn, eye).reshape(PK * DYN,
                                                              PK * HID)
    w4 = w_ih.reshape(HID, 4, HID)
    wih_bd = jnp.einsum('rtc,kj->krtjc', w4, eye).reshape(PK * HID, 4 * LAT)
    w4h = w_hh.reshape(HID, 4, HID)
    whh_bd = jnp.einsum('rtc,kj->krtjc', w4h, eye).reshape(PK * HID, 4 * LAT)
    wdyn_bd = jnp.einsum('rc,kj->krjc', w_dyn, eye).reshape(PK * HID,
                                                            PK * DYN)
    wlat_bd = jnp.einsum('rc,kj->krjc', w_lat, eye).reshape(PK * HID,
                                                            PK * LAT)
    bpre_p = jnp.tile(b_pre, PK).reshape(1, PK * HID)
    blstm_p = jnp.tile(b_lstm.reshape(4, 1, HID),
                       (1, PK, 1)).reshape(1, 4 * LAT)
    bdyn_p = jnp.tile(b_dyn, PK).reshape(1, PK * DYN)
    blat_p = jnp.tile(b_lat, PK).reshape(1, PK * LAT)

    full = lambda r, c: pl.BlockSpec((r, c), lambda: (0, 0))
    outs = pl.pallas_call(
        _tail_body,
        in_specs=[
            pl.BlockSpec((NC, NR, PK * HID), lambda: (0, 0, 0)),
            full(NR, PK * DYN), full(NR, PK * HID), full(NR, PK * HID),
            full(PK * DYN, PK * HID), full(1, PK * HID),
            full(PK * HID, 4 * LAT), full(PK * HID, 4 * LAT),
            full(1, 4 * LAT), full(PK * HID, PK * DYN), full(1, PK * DYN),
            full(PK * HID, PK * LAT), full(1, PK * LAT),
        ],
        out_specs=[full(NR, PK * DYN), full(NR, PK * LAT),
                   full(NR, PK * HID), full(NR, PK * HID)],
        out_shape=[
            jax.ShapeDtypeStruct((NR, PK * DYN), jnp.float32),
            jax.ShapeDtypeStruct((NR, PK * LAT), jnp.float32),
            jax.ShapeDtypeStruct((NR, PK * HID), jnp.float32),
            jax.ShapeDtypeStruct((NR, PK * HID), jnp.float32),
        ],
    )(acc.reshape(NC, NR, PK * HID), dyn_in.reshape(NR, PK * DYN),
      pk_lstm_c.reshape(NR, PK * HID), pk_lstm_h.reshape(NR, PK * HID),
      wd_bd, bpre_p, wih_bd, whh_bd, blstm_p, wdyn_bd, bdyn_p,
      wlat_bd, blat_p)
    dyn_out, lat_out, c_new, h_new = outs
    return (dyn_out.reshape(N, DYN), lat_out.reshape(N, LAT),
            c_new.reshape(N, HID), h_new.reshape(N, HID))


def kernel(dyn_in, pk_lat_out, pk_lstm_c, pk_lstm_h, edge_src, edge_dst,
           edge_slot, W_pre, b_pre, W_ih, W_hh, b_lstm, W_dyn, b_dyn,
           W_lat, b_lat):
    w_cat = (W_pre[DYN:].reshape(DEG, LAT, HID)
             .transpose(1, 0, 2).reshape(LAT, DEG * HID))
    w_pre_dyn = W_pre[:DYN]

    gidx = (edge_src * DEG + edge_slot).reshape(NW, NCHUNK, CHUNK)
    didx = edge_dst.reshape(NW, NCHUNK, CHUNK)

    p = _project(pk_lat_out, w_cat)
    acc = _sc_route(p.reshape(N * DEG, HID), gidx, didx)
    return _tail(acc, dyn_in, pk_lstm_c, pk_lstm_h, w_pre_dyn, b_pre,
                 W_ih, W_hh, b_lstm, W_dyn, b_dyn, W_lat, b_lat)

# --- scband reference (transcript-rebuilt; emitter-appended) ---
"""Pipeline reference for scband-kernel-network-22101901705482 (READ-ONLY COPY).

The authoritative reference and input builder live on the scoring server;
editing this copy changes nothing except your own understanding.
"""

import jax, jax.numpy as jnp
import numpy as np

N = 10000
DEG = 32
DYN = 8
LAT = 128
HID = 16
E = N * DEG


def setup_inputs(seed: int = 0) -> dict:
    key = jax.random.key(seed)
    ks = jax.random.split(key, 16)
    dyn_in = jax.random.normal(ks[0], (N, DYN), dtype=jnp.float32)
    pk_lat_out = jax.random.normal(ks[1], (N, LAT), dtype=jnp.float32)
    pk_lstm_c = jax.random.normal(ks[2], (N, HID), dtype=jnp.float32)
    pk_lstm_h = jax.random.normal(ks[3], (N, HID), dtype=jnp.float32)
    edge_src = jax.random.randint(ks[4], (E,), 0, N, dtype=jnp.int32)
    edge_dst = jax.random.randint(ks[5], (E,), 0, N, dtype=jnp.int32)
    edge_slot = jax.random.randint(ks[6], (E,), 0, DEG, dtype=jnp.int32)
    in_dim = DYN + DEG * LAT
    W_pre = jax.random.normal(ks[7], (in_dim, HID), dtype=jnp.float32) / np.sqrt(in_dim)
    b_pre = jnp.zeros((HID,), dtype=jnp.float32)
    W_ih = jax.random.normal(ks[8], (HID, 4 * HID), dtype=jnp.float32) / np.sqrt(HID)
    W_hh = jax.random.normal(ks[9], (HID, 4 * HID), dtype=jnp.float32) / np.sqrt(HID)
    b_lstm = jnp.zeros((4 * HID,), dtype=jnp.float32)
    W_dyn = jax.random.normal(ks[10], (HID, DYN), dtype=jnp.float32) / np.sqrt(HID)
    b_dyn = jnp.zeros((DYN,), dtype=jnp.float32)
    W_lat = jax.random.normal(ks[11], (HID, LAT), dtype=jnp.float32) / np.sqrt(HID)
    b_lat = jnp.zeros((LAT,), dtype=jnp.float32)
    return {
        "dyn_in": dyn_in,
        "pk_lat_out": pk_lat_out,
        "pk_lstm_c": pk_lstm_c,
        "pk_lstm_h": pk_lstm_h,
        "edge_src": edge_src,
        "edge_dst": edge_dst,
        "edge_slot": edge_slot,
        "W_pre": W_pre,
        "b_pre": b_pre,
        "W_ih": W_ih,
        "W_hh": W_hh,
        "b_lstm": b_lstm,
        "W_dyn": W_dyn,
        "b_dyn": b_dyn,
        "W_lat": W_lat,
        "b_lat": b_lat,
    }


def reference(dyn_in, pk_lat_out, pk_lstm_c, pk_lstm_h, edge_src, edge_dst, edge_slot,
              W_pre, b_pre, W_ih, W_hh, b_lstm, W_dyn, b_dyn, W_lat, b_lat):
    # Lateral routing: pk_lat_in[pos0, going_to] <- pk_lat_out[coming_from]
    # gather over src nodes, scatter-accumulate into (dst node, neighbor slot)
    msgs = jnp.take(pk_lat_out, edge_src, axis=0)  # [E, LAT] gather
    lat_in = jnp.zeros((N, DEG, LAT), dtype=dyn_in.dtype).at[edge_dst, edge_slot].add(msgs)
    # PredictionKernelNet forward (shared weights across all PKs)
    x = jnp.concatenate([dyn_in, lat_in.reshape(N, DEG * LAT)], axis=1)
    pre = jnp.tanh(x @ W_pre + b_pre)
    gates = pre @ W_ih + pk_lstm_h @ W_hh + b_lstm
    i_g, f_g, g_g, o_g = jnp.split(gates, 4, axis=1)
    i_g = jax.nn.sigmoid(i_g)
    f_g = jax.nn.sigmoid(f_g)
    g_g = jnp.tanh(g_g)
    o_g = jax.nn.sigmoid(o_g)
    c_new = f_g * pk_lstm_c + i_g * g_g
    h_new = o_g * jnp.tanh(c_new)
    pk_dyn_out = h_new @ W_dyn + b_dyn
    pk_lat_out_new = jnp.tanh(h_new @ W_lat + b_lat)
    return pk_dyn_out, pk_lat_out_new, c_new, h_new

if __name__ == "__main__":
    import jax
    _d = setup_inputs()
    print(jax.jit(kernel)(*tuple(_d.values())))

</pallas_src>

<mosaic_0001>
#map = affine_map<(d0, d1) -> (0, 0)>
#map1 = affine_map<(d0, d1) -> (0, 0, 0)>
module attributes {stable_mosaic.version = 14 : i64} {
  func.func @_sc_route(%arg0: i32, %arg1: i32, %arg2: memref<320000x16xf32, #tpu.memory_space<hbm>>, %arg3: memref<32x80x125xi32, #tpu.memory_space<hbm>>, %arg4: memref<32x80x125xi32, #tpu.memory_space<hbm>>, %arg5: memref<2x10000x16xf32, #tpu.memory_space<hbm>>, %arg6: memref<80x125xi32, #tpu.memory_space<vmem>>, %arg7: memref<80x125xi32, #tpu.memory_space<vmem>>, %arg8: memref<10x125x16xf32, #tpu.memory_space<vmem>>, %arg9: memref<632x16xf32, #tpu.memory_space<vmem>>, %arg10: memref<10112x16xf32, #tpu.memory_space<vmem_shared>>, %arg11: memref<!tpu.dma_semaphore, #tpu.memory_space<semaphore_mem>>, %arg12: memref<!tpu.dma_semaphore, #tpu.memory_space<semaphore_mem>>, %arg13: memref<!tpu.dma_semaphore, #tpu.memory_space<semaphore_mem>>, %arg14: memref<!tpu.dma_semaphore, #tpu.memory_space<semaphore_mem>>, %arg15: memref<!tpu.dma_semaphore, #tpu.memory_space<semaphore_mem>>, %arg16: memref<!tpu.dma_semaphore, #tpu.memory_space<semaphore_mem>>, %arg17: memref<!tpu.dma_semaphore, #tpu.memory_space<semaphore_mem>>, %arg18: memref<!tpu.dma_semaphore, #tpu.memory_space<semaphore_mem>>, %arg19: memref<!tpu.dma_semaphore, #tpu.memory_space<semaphore_mem>>, %arg20: memref<!tpu.dma_semaphore, #tpu.memory_space<semaphore_mem>>, %arg21: memref<!tpu.dma_semaphore, #tpu.memory_space<semaphore_mem>>, %arg22: memref<!tpu.dma_semaphore, #tpu.memory_space<semaphore_mem>>, %arg23: memref<!tpu.dma_semaphore, #tpu.memory_space<semaphore_mem>>, %arg24: memref<!tpu.dma_semaphore, #tpu.memory_space<semaphore_mem>>, %arg25: memref<!tpu.dma_semaphore, #tpu.memory_space<semaphore_mem>>, %arg26: memref<!tpu.dma_semaphore, #tpu.memory_space<semaphore_mem>>, %arg27: memref<!tpu.dma_semaphore, #tpu.memory_space<semaphore_mem>>, %arg28: memref<!tpu.dma_semaphore, #tpu.memory_space<semaphore_mem>>, %arg29: memref<!tpu.dma_semaphore, #tpu.memory_space<semaphore_mem>>, %arg30: memref<!tpu.dma_semaphore, #tpu.memory_space<semaphore_mem>>) attributes {dimension_semantics = [#tpu.dimension_semantics<core_parallel>, #tpu.dimension_semantics<subcore_parallel>], iteration_bounds = array<i64: 2, 16>, scalar_prefetch = 0 : i64, scratch_operands = 25 : i64, tpu.core_type = #tpu.core_type<sc_vector_subcore>, window_params = [{transform_indices = #map}, {transform_indices = #map1}, {transform_indices = #map1}, {transform_indices = #map1}]} {
    %mul3A = arith.constant 2 : i32
    %mul3A_0 = arith.muli %arg1, %mul3A : i32
    %add3A = arith.addi %mul3A_0, %arg0 : i32
    "tpu.region"() ({
      %run_scoped3A = tpu.sem_alloc : memref<!tpu.dma_semaphore, #tpu.memory_space<semaphore_mem>>
      %dma_start3A_495 = arith.constant 0 : i32
      %dma_start3A_496 = arith.constant 0 : i32
      %dma_start3A_497 = tpu.memref_slice %arg3[%add3A, %dma_start3A_495, %dma_start3A_496] : memref<32x80x125xi32, #tpu.memory_space<hbm>> -> memref<1x80x125xi32, #tpu.memory_space<hbm>>
      %dma_start3A_498 = tpu.memref_squeeze %dma_start3A_497 : memref<1x80x125xi32, #tpu.memory_space<hbm>> -> memref<80x125xi32, #tpu.memory_space<hbm>>
      %dma_start3A_499 = arith.constant 0 : i32
      %dma_start3A_500 = arith.constant 0 : i32
      %dma_start3A_501 = tpu.memref_slice %arg3[%add3A, %dma_start3A_499, %dma_start3A_500] : memref<32x80x125xi32, #tpu.memory_space<hbm>> -> memref<1x80x125xi32, #tpu.memory_space<hbm>>
      %dma_start3A_502 = tpu.memref_squeeze %dma_start3A_501 : memref<1x80x125xi32, #tpu.memory_space<hbm>> -> memref<80x125xi32, #tpu.memory_space<hbm>>
      tpu.enqueue_dma source(%dma_start3A_502 : memref<80x125xi32, #tpu.memory_space<hbm>>) target(%arg6 : memref<80x125xi32, #tpu.memory_space<vmem>>) target_semaphore(%run_scoped3A : memref<!tpu.dma_semaphore, #tpu.memory_space<semaphore_mem>>)
      %dma_wait3A_503 = arith.constant 0 : i32
      %dma_wait3A_504 = arith.constant 0 : i32
      %dma_wait3A_505 = tpu.memref_slice %arg3[%add3A, %dma_wait3A_503, %dma_wait3A_504] : memref<32x80x125xi32, #tpu.memory_space<hbm>> -> memref<1x80x125xi32, #tpu.memory_space<hbm>>
      %dma_wait3A_506 = tpu.memref_squeeze %dma_wait3A_505 : memref<1x80x125xi32, #tpu.memory_space<hbm>> -> memref<80x125xi32, #tpu.memory_space<hbm>>
      %dma_wait3A_507 = arith.constant 0 : i32
      %dma_wait3A_508 = arith.constant 0 : i32
      %dma_wait3A_509 = tpu.memref_slice %arg3[%add3A, %dma_wait3A_507, %dma_wait3A_508] : memref<32x80x125xi32, #tpu.memory_space<hbm>> -> memref<1x80x125xi32, #tpu.memory_space<hbm>>
      %dma_wait3A_510 = tpu.memref_squeeze %dma_wait3A_509 : memref<1x80x125xi32, #tpu.memory_space<hbm>> -> memref<80x125xi32, #tpu.memory_space<hbm>>
      tpu.wait_dma2 semaphore(%run_scoped3A : memref<!tpu.dma_semaphore, #tpu.memory_space<semaphore_mem>>) src(%dma_wait3A_510 : memref<80x125xi32, #tpu.memory_space<hbm>>) dst(%arg6 : memref<80x125xi32, #tpu.memory_space<vmem>>)
      tpu.yield
    }) : () -> ()
    "tpu.region"() ({
      %run_scoped3A = tpu.sem_alloc : memref<!tpu.dma_semaphore, #tpu.memory_space<semaphore_mem>>
      %dma_start3A_495 = arith.constant 0 : i32
      %dma_start3A_496 = arith.constant 0 : i32
      %dma_start3A_497 = tpu.memref_slice %arg4[%add3A, %dma_start3A_495, %dma_start3A_496] : memref<32x80x125xi32, #tpu.memory_space<hbm>> -> memref<1x80x125xi32, #tpu.memory_space<hbm>>
      %dma_start3A_498 = tpu.memref_squeeze %dma_start3A_497 : memref<1x80x125xi32, #tpu.memory_space<hbm>> -> memref<80x125xi32, #tpu.memory_space<hbm>>
      %dma_start3A_499 = arith.constant 0 : i32
      %dma_start3A_500 = arith.constant 0 : i32
      %dma_start3A_501 = tpu.memref_slice %arg4[%add3A, %dma_start3A_499, %dma_start3A_500] : memref<32x80x125xi32, #tpu.memory_space<hbm>> -> memref<1x80x125xi32, #tpu.memory_space<hbm>>
      %dma_start3A_502 = tpu.memref_squeeze %dma_start3A_501 : memref<1x80x125xi32, #tpu.memory_space<hbm>> -> memref<80x125xi32, #tpu.memory_space<hbm>>
      tpu.enqueue_dma source(%dma_start3A_502 : memref<80x125xi32, #tpu.memory_space<hbm>>) target(%arg7 : memref<80x125xi32, #tpu.memory_space<vmem>>) target_semaphore(%run_scoped3A : memref<!tpu.dma_semaphore, #tpu.memory_space<semaphore_mem>>)
      %dma_wait3A_503 = arith.constant 0 : i32
      %dma_wait3A_504 = arith.constant 0 : i32
      %dma_wait3A_505 = tpu.memref_slice %arg4[%add3A, %dma_wait3A_503, %dma_wait3A_504] : memref<32x80x125xi32, #tpu.memory_space<hbm>> -> memref<1x80x125xi32, #tpu.memory_space<hbm>>
      %dma_wait3A_506 = tpu.memref_squeeze %dma_wait3A_505 : memref<1x80x125xi32, #tpu.memory_space<hbm>> -> memref<80x125xi32, #tpu.memory_space<hbm>>
      %dma_wait3A_507 = arith.constant 0 : i32
      %dma_wait3A_508 = arith.constant 0 : i32
      %dma_wait3A_509 = tpu.memref_slice %arg4[%add3A, %dma_wait3A_507, %dma_wait3A_508] : memref<32x80x125xi32, #tpu.memory_space<hbm>> -> memref<1x80x125xi32, #tpu.memory_space<hbm>>
      %dma_wait3A_510 = tpu.memref_squeeze %dma_wait3A_509 : memref<1x80x125xi32, #tpu.memory_space<hbm>> -> memref<80x125xi32, #tpu.memory_space<hbm>>
      tpu.wait_dma2 semaphore(%run_scoped3A : memref<!tpu.dma_semaphore, #tpu.memory_space<semaphore_mem>>) src(%dma_wait3A_510 : memref<80x125xi32, #tpu.memory_space<hbm>>) dst(%arg7 : memref<80x125xi32, #tpu.memory_space<vmem>>)
      tpu.yield
    }) : () -> ()
    %scan3A = arith.constant 0 : i32
    %scan3A_1 = arith.constant 0 : i32
    %scan3A_2 = arith.constant 632 : i32
    %scan3A_3 = arith.addi %scan3A_1, %scan3A_2 : i32
    %scan3A_4 = arith.constant 1 : i32
    scf.for %scan3A_495 = %scan3A_1 to %scan3A_3 step %scan3A_4  : i32 {
      %broadcast_in_dim3A = arith.constant 0.000000e+00 : f32
      %broadcast_in_dim3A_496 = vector.broadcast %broadcast_in_dim3A : f32 to vector<16xf32>
      %swap3A = arith.index_cast %scan3A_495 : i32 to index
      %swap3A_497 = arith.constant 0 : index
      %swap3A_498 = tpu.vector_load %arg9[%swap3A, %swap3A_497] {strides = array<i32>} : memref<632x16xf32, #tpu.memory_space<vmem>>, vector<1x16xf32>,
      %swap3A_499 = vector.shape_cast %swap3A_498 : vector<1x16xf32> to vector<16xf32>
      %swap3A_500 = vector.shape_cast %broadcast_in_dim3A_496 : vector<16xf32> to vector<1x16xf32>
      tpu.vector_store %arg9[%swap3A, %swap3A_497], %swap3A_500 {strides = array<i32>} : memref<632x16xf32, #tpu.memory_space<vmem>>, vector<1x16xf32>,
    }
    %scan3A_5 = arith.constant 632 : i32
    %mul3A_6 = arith.constant 632 : i32
    %mul3A_7 = arith.muli %arg1, %mul3A_6 : i32
    "tpu.region"() ({
      %run_scoped3A = tpu.sem_alloc : memref<!tpu.dma_semaphore, #tpu.memory_space<semaphore_mem>>
      %dma_start3A_495 = arith.constant 0 : i32
      %dma_start3A_496 = tpu.memref_slice %arg10[%mul3A_7, %dma_start3A_495] : memref<10112x16xf32, #tpu.memory_space<vmem_shared>> -> memref<632x16xf32, #tpu.memory_space<vmem_shared>>
      %dma_start3A_497 = arith.constant 0 : i32
      %dma_start3A_498 = tpu.memref_slice %arg10[%mul3A_7, %dma_start3A_497] : memref<10112x16xf32, #tpu.memory_space<vmem_shared>> -> memref<632x16xf32, #tpu.memory_space<vmem_shared>>
      tpu.enqueue_dma source(%arg9 : memref<632x16xf32, #tpu.memory_space<vmem>>) target(%dma_start3A_498 : memref<632x16xf32, #tpu.memory_space<vmem_shared>>) target_semaphore(%run_scoped3A : memref<!tpu.dma_semaphore, #tpu.memory_space<semaphore_mem>>)
      %dma_wait3A_499 = arith.constant 0 : i32
      %dma_wait3A_500 = tpu.memref_slice %arg10[%mul3A_7, %dma_wait3A_499] : memref<10112x16xf32, #tpu.memory_space<vmem_shared>> -> memref<632x16xf32, #tpu.memory_space<vmem_shared>>
      %dma_wait3A_501 = arith.constant 0 : i32
      %dma_wait3A_502 = tpu.memref_slice %arg10[%mul3A_7, %dma_wait3A_501] : memref<10112x16xf32, #tpu.memory_space<vmem_shared>> -> memref<632x16xf32, #tpu.memory_space<vmem_shared>>
      tpu.wait_dma2 semaphore(%run_scoped3A : memref<!tpu.dma_semaphore, #tpu.memory_space<semaphore_mem>>) src(%arg9 : memref<632x16xf32, #tpu.memory_space<vmem>>) dst(%dma_wait3A_502 : memref<632x16xf32, #tpu.memory_space<vmem_shared>>)
      tpu.yield
    }) : () -> ()
    %barrier3A = arith.constant 0 : index
    tpu.barrier barrier_id(%barrier3A)
    %dma_start3A = arith.constant 0 : i32
    %dma_start3A_8 = arith.constant 0 : i32
    %dma_start3A_9 = arith.constant 0 : i32
    %dma_start3A_10 = arith.constant 0 : i32
    %dma_start3A_11 = tpu.memref_slice %arg8[%dma_start3A_8, %dma_start3A_9, %dma_start3A_10] : memref<10x125x16xf32, #tpu.memory_space<vmem>> -> memref<1x125x16xf32, #tpu.memory_space<vmem>>
    %dma_start3A_12 = tpu.memref_squeeze %dma_start3A_11 : memref<1x125x16xf32, #tpu.memory_space<vmem>> -> memref<125x16xf32, #tpu.memory_space<vmem>>
    %dma_start3A_13 = arith.constant 0 : i32
    %dma_start3A_14 = tpu.memref_slice %arg6[%dma_start3A, %dma_start3A_13] : memref<80x125xi32, #tpu.memory_space<vmem>> -> memref<1x125xi32, #tpu.memory_space<vmem>>
    %dma_start3A_15 = tpu.memref_squeeze %dma_start3A_14 : memref<1x125xi32, #tpu.memory_space<vmem>> -> memref<125xi32, #tpu.memory_space<vmem>>
    %dma_start3A_16 = arith.constant 0 : i32
    %dma_start3A_17 = arith.constant 0 : i32
    %dma_start3A_18 = tpu.memref_slice %arg2[%dma_start3A_16, %dma_start3A_17] : memref<320000x16xf32, #tpu.memory_space<hbm>> -> memref<320000x16xf32, #tpu.memory_space<hbm>>
    tpu.enqueue_indirect_dma source(%dma_start3A_18 : memref<320000x16xf32, #tpu.memory_space<hbm>>) target(%dma_start3A_12 : memref<125x16xf32, #tpu.memory_space<vmem>>) offsets(%dma_start3A_15 : memref<125xi32, #tpu.memory_space<vmem>>) semaphore(%arg11 : memref<!tpu.dma_semaphore, #tpu.memory_space<semaphore_mem>>)
    %dma_start3A_19 = arith.constant 1 : i32
    %dma_start3A_20 = arith.constant 1 : i32
    %dma_start3A_21 = arith.constant 0 : i32
    %dma_start3A_22 = arith.constant 0 : i32
    %dma_start3A_23 = tpu.memref_slice %arg8[%dma_start3A_20, %dma_start3A_21, %dma_start3A_22] : memref<10x125x16xf32, #tpu.memory_space<vmem>> -> memref<1x125x16xf32, #tpu.memory_space<vmem>>
    %dma_start3A_24 = tpu.memref_squeeze %dma_start3A_23 : memref<1x125x16xf32, #tpu.memory_space<vmem>> -> memref<125x16xf32, #tpu.memory_space<vmem>>
    %dma_start3A_25 = arith.constant 0 : i32
    %dma_start3A_26 = tpu.memref_slice %arg6[%dma_start3A_19, %dma_start3A_25] : memref<80x125xi32, #tpu.memory_space<vmem>> -> memref<1x125xi32, #tpu.memory_space<vmem>>
    %dma_start3A_27 = tpu.memref_squeeze %dma_start3A_26 : memref<1x125xi32, #tpu.memory_space<vmem>> -> memref<125xi32, #tpu.memory_space<vmem>>
    %dma_start3A_28 = arith.constant 0 : i32
    %dma_start3A_29 = arith.constant 0 : i32
    %dma_start3A_30 = tpu.memref_slice %arg2[%dma_start3A_28, %dma_start3A_29] : memref<320000x16xf32, #tpu.memory_space<hbm>> -> memref<320000x16xf32, #tpu.memory_space<hbm>>
    tpu.enqueue_indirect_dma source(%dma_start3A_30 : memref<320000x16xf32, #tpu.memory_space<hbm>>) target(%dma_start3A_24 : memref<125x16xf32, #tpu.memory_space<vmem>>) offsets(%dma_start3A_27 : memref<125xi32, #tpu.memory_space<vmem>>) semaphore(%arg12 : memref<!tpu.dma_semaphore, #tpu.memory_space<semaphore_mem>>)
    %dma_start3A_31 = arith.constant 2 : i32
    %dma_start3A_32 = arith.constant 2 : i32
    %dma_start3A_33 = arith.constant 0 : i32
    %dma_start3A_34 = arith.constant 0 : i32
    %dma_start3A_35 = tpu.memref_slice %arg8[%dma_start3A_32, %dma_start3A_33, %dma_start3A_34] : memref<10x125x16xf32, #tpu.memory_space<vmem>> -> memref<1x125x16xf32, #tpu.memory_space<vmem>>
    %dma_start3A_36 = tpu.memref_squeeze %dma_start3A_35 : memref<1x125x16xf32, #tpu.memory_space<vmem>> -> memref<125x16xf32, #tpu.memory_space<vmem>>
    %dma_start3A_37 = arith.constant 0 : i32
    %dma_start3A_38 = tpu.memref_slice %arg6[%dma_start3A_31, %dma_start3A_37] : memref<80x125xi32, #tpu.memory_space<vmem>> -> memref<1x125xi32, #tpu.memory_space<vmem>>
    %dma_start3A_39 = tpu.memref_squeeze %dma_start3A_38 : memref<1x125xi32, #tpu.memory_space<vmem>> -> memref<125xi32, #tpu.memory_space<vmem>>
    %dma_start3A_40 = arith.constant 0 : i32
    %dma_start3A_41 = arith.constant 0 : i32
    %dma_start3A_42 = tpu.memref_slice %arg2[%dma_start3A_40, %dma_start3A_41] : memref<320000x16xf32, #tpu.memory_space<hbm>> -> memref<320000x16xf32, #tpu.memory_space<hbm>>
    tpu.enqueue_indirect_dma source(%dma_start3A_42 : memref<320000x16xf32, #tpu.memory_space<hbm>>) target(%dma_start3A_36 : memref<125x16xf32, #tpu.memory_space<vmem>>) offsets(%dma_start3A_39 : memref<125xi32, #tpu.memory_space<vmem>>) semaphore(%arg13 : memref<!tpu.dma_semaphore, #tpu.memory_space<semaphore_mem>>)
    %dma_start3A_43 = arith.constant 3 : i32
    %dma_start3A_44 = arith.constant 3 : i32
    %dma_start3A_45 = arith.constant 0 : i32
    %dma_start3A_46 = arith.constant 0 : i32
    %dma_start3A_47 = tpu.memref_slice %arg8[%dma_start3A_44, %dma_start3A_45, %dma_start3A_46] : memref<10x125x16xf32, #tpu.memory_space<vmem>> -> memref<1x125x16xf32, #tpu.memory_space<vmem>>
    %dma_start3A_48 = tpu.memref_squeeze %dma_start3A_47 : memref<1x125x16xf32, #tpu.memory_space<vmem>> -> memref<125x16xf32, #tpu.memory_space<vmem>>
    %dma_start3A_49 = arith.constant 0 : i32
    %dma_start3A_50 = tpu.memref_slice %arg6[%dma_start3A_43, %dma_start3A_49] : memref<80x125xi32, #tpu.memory_space<vmem>> -> memref<1x125xi32, #tpu.memory_space<vmem>>
    %dma_start3A_51 = tpu.memref_squeeze %dma_start3A_50 : memref<1x125xi32, #tpu.memory_space<vmem>> -> memref<125xi32, #tpu.memory_space<vmem>>
    %dma_start3A_52 = arith.constant 0 : i32
    %dma_start3A_53 = arith.constant 0 : i32
    %dma_start3A_54 = tpu.memref_slice %arg2[%dma_start3A_52, %dma_start3A_53] : memref<320000x16xf32, #tpu.memory_space<hbm>> -> memref<320000x16xf32, #tpu.memory_space<hbm>>
    tpu.enqueue_indirect_dma source(%dma_start3A_54 : memref<320000x16xf32, #tpu.memory_space<hbm>>) target(%dma_start3A_48 : memref<125x16xf32, #tpu.memory_space<vmem>>) offsets(%dma_start3A_51 : memref<125xi32, #tpu.memory_space<vmem>>) semaphore(%arg14 : memref<!tpu.dma_semaphore, #tpu.memory_space<semaphore_mem>>)
    %dma_start3A_55 = arith.constant 4 : i32
    %dma_start3A_56 = arith.constant 4 : i32
    %dma_start3A_57 = arith.constant 0 : i32
    %dma_start3A_58 = arith.constant 0 : i32
    %dma_start3A_59 = tpu.memref_slice %arg8[%dma_start3A_56, %dma_start3A_57, %dma_start3A_58] : memref<10x125x16xf32, #tpu.memory_space<vmem>> -> memref<1x125x16xf32, #tpu.memory_space<vmem>>
    %dma_start3A_60 = tpu.memref_squeeze %dma_start3A_59 : memref<1x125x16xf32, #tpu.memory_space<vmem>> -> memref<125x16xf32, #tpu.memory_space<vmem>>
    %dma_start3A_61 = arith.constant 0 : i32
    %dma_start3A_62 = tpu.memref_slice %arg6[%dma_start3A_55, %dma_start3A_61] : memref<80x125xi32, #tpu.memory_space<vmem>> -> memref<1x125xi32, #tpu.memory_space<vmem>>
    %dma_start3A_63 = tpu.memref_squeeze %dma_start3A_62 : memref<1x125xi32, #tpu.memory_space<vmem>> -> memref<125xi32, #tpu.memory_space<vmem>>
    %dma_start3A_64 = arith.constant 0 : i32
    %dma_start3A_65 = arith.constant 0 : i32
    %dma_start3A_66 = tpu.memref_slice %arg2[%dma_start3A_64, %dma_start3A_65] : memref<320000x16xf32, #tpu.memory_space<hbm>> -> memref<320000x16xf32, #tpu.memory_space<hbm>>
    tpu.enqueue_indirect_dma source(%dma_start3A_66 : memref<320000x16xf32, #tpu.memory_space<hbm>>) target(%dma_start3A_60 : memref<125x16xf32, #tpu.memory_space<vmem>>) offsets(%dma_start3A_63 : memref<125xi32, #tpu.memory_space<vmem>>) semaphore(%arg15 : memref<!tpu.dma_semaphore, #tpu.memory_space<semaphore_mem>>)
    %dma_start3A_67 = arith.constant 5 : i32
    %dma_start3A_68 = arith.constant 5 : i32
    %dma_start3A_69 = arith.constant 0 : i32
    %dma_start3A_70 = arith.constant 0 : i32
    %dma_start3A_71 = tpu.memref_slice %arg8[%dma_start3A_68, %dma_start3A_69, %dma_start3A_70] : memref<10x125x16xf32, #tpu.memory_space<vmem>> -> memref<1x125x16xf32, #tpu.memory_space<vmem>>
    %dma_start3A_72 = tpu.memref_squeeze %dma_start3A_71 : memref<1x125x16xf32, #tpu.memory_space<vmem>> -> memref<125x16xf32, #tpu.memory_space<vmem>>
    %dma_start3A_73 = arith.constant 0 : i32
    %dma_start3A_74 = tpu.memref_slice %arg6[%dma_start3A_67, %dma_start3A_73] : memref<80x125xi32, #tpu.memory_space<vmem>> -> memref<1x125xi32, #tpu.memory_space<vmem>>
    %dma_start3A_75 = tpu.memref_squeeze %dma_start3A_74 : memref<1x125xi32, #tpu.memory_space<vmem>> -> memref<125xi32, #tpu.memory_space<vmem>>
    %dma_start3A_76 = arith.constant 0 : i32
    %dma_start3A_77 = arith.constant 0 : i32
    %dma_start3A_78 = tpu.memref_slice %arg2[%dma_start3A_76, %dma_start3A_77] : memref<320000x16xf32, #tpu.memory_space<hbm>> -> memref<320000x16xf32, #tpu.memory_space<hbm>>
    tpu.enqueue_indirect_dma source(%dma_start3A_78 : memref<320000x16xf32, #tpu.memory_space<hbm>>) target(%dma_start3A_72 : memref<125x16xf32, #tpu.memory_space<vmem>>) offsets(%dma_start3A_75 : memref<125xi32, #tpu.memory_space<vmem>>) semaphore(%arg16 : memref<!tpu.dma_semaphore, #tpu.memory_space<semaphore_mem>>)
    %dma_start3A_79 = arith.constant 6 : i32
    %dma_start3A_80 = arith.constant 6 : i32
    %dma_start3A_81 = arith.constant 0 : i32
    %dma_start3A_82 = arith.constant 0 : i32
    %dma_start3A_83 = tpu.memref_slice %arg8[%dma_start3A_80, %dma_start3A_81, %dma_start3A_82] : memref<10x125x16xf32, #tpu.memory_space<vmem>> -> memref<1x125x16xf32, #tpu.memory_space<vmem>>
    %dma_start3A_84 = tpu.memref_squeeze %dma_start3A_83 : memref<1x125x16xf32, #tpu.memory_space<vmem>> -> memref<125x16xf32, #tpu.memory_space<vmem>>
    %dma_start3A_85 = arith.constant 0 : i32
    %dma_start3A_86 = tpu.memref_slice %arg6[%dma_start3A_79, %dma_start3A_85] : memref<80x125xi32, #tpu.memory_space<vmem>> -> memref<1x125xi32, #tpu.memory_space<vmem>>
    %dma_start3A_87 = tpu.memref_squeeze %dma_start3A_86 : memref<1x125xi32, #tpu.memory_space<vmem>> -> memref<125xi32, #tpu.memory_space<vmem>>
    %dma_start3A_88 = arith.constant 0 : i32
    %dma_start3A_89 = arith.constant 0 : i32
    %dma_start3A_90 = tpu.memref_slice %arg2[%dma_start3A_88, %dma_start3A_89] : memref<320000x16xf32, #tpu.memory_space<hbm>> -> memref<320000x16xf32, #tpu.memory_space<hbm>>
    tpu.enqueue_indirect_dma source(%dma_start3A_90 : memref<320000x16xf32, #tpu.memory_space<hbm>>) target(%dma_start3A_84 : memref<125x16xf32, #tpu.memory_space<vmem>>) offsets(%dma_start3A_87 : memref<125xi32, #tpu.memory_space<vmem>>) semaphore(%arg17 : memref<!tpu.dma_semaphore, #tpu.memory_space<semaphore_mem>>)
    %dma_start3A_91 = arith.constant 7 : i32
    %dma_start3A_92 = arith.constant 7 : i32
    %dma_start3A_93 = arith.constant 0 : i32
    %dma_start3A_94 = arith.constant 0 : i32
    %dma_start3A_95 = tpu.memref_slice %arg8[%dma_start3A_92, %dma_start3A_93, %dma_start3A_94] : memref<10x125x16xf32, #tpu.memory_space<vmem>> -> memref<1x125x16xf32, #tpu.memory_space<vmem>>
    %dma_start3A_96 = tpu.memref_squeeze %dma_start3A_95 : memref<1x125x16xf32, #tpu.memory_space<vmem>> -> memref<125x16xf32, #tpu.memory_space<vmem>>
    %dma_start3A_97 = arith.constant 0 : i32
    %dma_start3A_98 = tpu.memref_slice %arg6[%dma_start3A_91, %dma_start3A_97] : memref<80x125xi32, #tpu.memory_space<vmem>> -> memref<1x125xi32, #tpu.memory_space<vmem>>
    %dma_start3A_99 = tpu.memref_squeeze %dma_start3A_98 : memref<1x125xi32, #tpu.memory_space<vmem>> -> memref<125xi32, #tpu.memory_space<vmem>>
    %dma_start3A_100 = arith.constant 0 : i32
    %dma_start3A_101 = arith.constant 0 : i32
    %dma_start3A_102 = tpu.memref_slice %arg2[%dma_start3A_100, %dma_start3A_101] : memref<320000x16xf32, #tpu.memory_space<hbm>> -> memref<320000x16xf32, #tpu.memory_space<hbm>>
    tpu.enqueue_indirect_dma source(%dma_start3A_102 : memref<320000x16xf32, #tpu.memory_space<hbm>>) target(%dma_start3A_96 : memref<125x16xf32, #tpu.memory_space<vmem>>) offsets(%dma_start3A_99 : memref<125xi32, #tpu.memory_space<vmem>>) semaphore(%arg18 : memref<!tpu.dma_semaphore, #tpu.memory_space<semaphore_mem>>)
    %dma_start3A_103 = arith.constant 8 : i32
    %dma_start3A_104 = arith.constant 8 : i32
    %dma_start3A_105 = arith.constant 0 : i32
    %dma_start3A_106 = arith.constant 0 : i32
    %dma_start3A_107 = tpu.memref_slice %arg8[%dma_start3A_104, %dma_start3A_105, %dma_start3A_106] : memref<10x125x16xf32, #tpu.memory_space<vmem>> -> memref<1x125x16xf32, #tpu.memory_space<vmem>>
    %dma_start3A_108 = tpu.memref_squeeze %dma_start3A_107 : memref<1x125x16xf32, #tpu.memory_space<vmem>> -> memref<125x16xf32, #tpu.memory_space<vmem>>
    %dma_start3A_109 = arith.constant 0 : i32
    %dma_start3A_110 = tpu.memref_slice %arg6[%dma_start3A_103, %dma_start3A_109] : memref<80x125xi32, #tpu.memory_space<vmem>> -> memref<1x125xi32, #tpu.memory_space<vmem>>
    %dma_start3A_111 = tpu.memref_squeeze %dma_start3A_110 : memref<1x125xi32, #tpu.memory_space<vmem>> -> memref<125xi32, #tpu.memory_space<vmem>>
    %dma_start3A_112 = arith.constant 0 : i32
    %dma_start3A_113 = arith.constant 0 : i32
    %dma_start3A_114 = tpu.memref_slice %arg2[%dma_start3A_112, %dma_start3A_113] : memref<320000x16xf32, #tpu.memory_space<hbm>> -> memref<320000x16xf32, #tpu.memory_space<hbm>>
    tpu.enqueue_indirect_dma source(%dma_start3A_114 : memref<320000x16xf32, #tpu.memory_space<hbm>>) target(%dma_start3A_108 : memref<125x16xf32, #tpu.memory_space<vmem>>) offsets(%dma_start3A_111 : memref<125xi32, #tpu.memory_space<vmem>>) semaphore(%arg19 : memref<!tpu.dma_semaphore, #tpu.memory_space<semaphore_mem>>)
    %dma_start3A_115 = arith.constant 9 : i32
    %dma_start3A_116 = arith.constant 9 : i32
    %dma_start3A_117 = arith.constant 0 : i32
    %dma_start3A_118 = arith.constant 0 : i32
    %dma_start3A_119 = tpu.memref_slice %arg8[%dma_start3A_116, %dma_start3A_117, %dma_start3A_118] : memref<10x125x16xf32, #tpu.memory_space<vmem>> -> memref<1x125x16xf32, #tpu.memory_space<vmem>>
    %dma_start3A_120 = tpu.memref_squeeze %dma_start3A_119 : memref<1x125x16xf32, #tpu.memory_space<vmem>> -> memref<125x16xf32, #tpu.memory_space<vmem>>
    %dma_start3A_121 = arith.constant 0 : i32
    %dma_start3A_122 = tpu.memref_slice %arg6[%dma_start3A_115, %dma_start3A_121] : memref<80x125xi32, #tpu.memory_space<vmem>> -> memref<1x125xi32, #tpu.memory_space<vmem>>
    %dma_start3A_123 = tpu.memref_squeeze %dma_start3A_122 : memref<1x125xi32, #tpu.memory_space<vmem>> -> memref<125xi32, #tpu.memory_space<vmem>>
    %dma_start3A_124 = arith.constant 0 : i32
    %dma_start3A_125 = arith.constant 0 : i32
    %dma_start3A_126 = tpu.memref_slice %arg2[%dma_start3A_124, %dma_start3A_125] : memref<320000x16xf32, #tpu.memory_space<hbm>> -> memref<320000x16xf32, #tpu.memory_space<hbm>>
    tpu.enqueue_indirect_dma source(%dma_start3A_126 : memref<320000x16xf32, #tpu.memory_space<hbm>>) target(%dma_start3A_120 : memref<125x16xf32, #tpu.memory_space<vmem>>) offsets(%dma_start3A_123 : memref<125xi32, #tpu.memory_space<vmem>>) semaphore(%arg20 : memref<!tpu.dma_semaphore, #tpu.memory_space<semaphore_mem>>)
    %scan3A_127 = arith.constant 0 : i32
    %scan3A_128 = arith.constant 0 : i32
    %scan3A_129 = arith.constant 7 : i32
    %scan3A_130 = arith.addi %scan3A_128, %scan3A_129 : i32
    %scan3A_131 = arith.constant 1 : i32
    scf.for %scan3A_495 = %scan3A_128 to %scan3A_130 step %scan3A_131  : i32 {
      %mul3A_496 = arith.constant 10 : i32
      %mul3A_497 = arith.muli %scan3A_495, %mul3A_496 : i32
      %add3A_498 = arith.constant 0 : i32
      %add3A_499 = arith.addi %mul3A_497, %add3A_498 : i32
      %dma_wait3A_500 = arith.constant 0 : i32
      %dma_wait3A_501 = arith.constant 0 : i32
      %dma_wait3A_502 = arith.constant 0 : i32
      %dma_wait3A_503 = tpu.memref_slice %arg8[%dma_wait3A_500, %dma_wait3A_501, %dma_wait3A_502] : memref<10x125x16xf32, #tpu.memory_space<vmem>> -> memref<1x125x16xf32, #tpu.memory_space<vmem>>
      %dma_wait3A_504 = tpu.memref_squeeze %dma_wait3A_503 : memref<1x125x16xf32, #tpu.memory_space<vmem>> -> memref<125x16xf32, #tpu.memory_space<vmem>>
      %dma_wait3A_505 = arith.constant 0 : i32
      %dma_wait3A_506 = tpu.memref_slice %arg6[%add3A_499, %dma_wait3A_505] : memref<80x125xi32, #tpu.memory_space<vmem>> -> memref<1x125xi32, #tpu.memory_space<vmem>>
      %dma_wait3A_507 = tpu.memref_squeeze %dma_wait3A_506 : memref<1x125xi32, #tpu.memory_space<vmem>> -> memref<125xi32, #tpu.memory_space<vmem>>
      %dma_wait3A_508 = arith.constant 0 : i32
      %dma_wait3A_509 = arith.constant 0 : i32
      %dma_wait3A_510 = tpu.memref_slice %arg2[%dma_wait3A_508, %dma_wait3A_509] : memref<320000x16xf32, #tpu.memory_space<hbm>> -> memref<320000x16xf32, #tpu.memory_space<hbm>>
      tpu.wait_indirect_dma semaphore(%arg11 : memref<!tpu.dma_semaphore, #tpu.memory_space<semaphore_mem>>) src(%dma_wait3A_510 : memref<320000x16xf32, #tpu.memory_space<hbm>>) dst(%dma_wait3A_504 : memref<125x16xf32, #tpu.memory_space<vmem>>)
      %add3A_511 = arith.constant 0 : i32
      %add3A_512 = arith.addi %mul3A_497, %add3A_511 : i32
      %dma_start3A_513 = arith.constant 0 : i32
      %dma_start3A_514 = arith.constant 0 : i32
      %dma_start3A_515 = arith.constant 0 : i32
      %dma_start3A_516 = tpu.memref_slice %arg8[%dma_start3A_513, %dma_start3A_514, %dma_start3A_515] : memref<10x125x16xf32, #tpu.memory_space<vmem>> -> memref<1x125x16xf32, #tpu.memory_space<vmem>>
      %dma_start3A_517 = tpu.memref_squeeze %dma_start3A_516 : memref<1x125x16xf32, #tpu.memory_space<vmem>> -> memref<125x16xf32, #tpu.memory_space<vmem>>
      %dma_start3A_518 = arith.constant 0 : i32
      %dma_start3A_519 = tpu.memref_slice %arg7[%add3A_512, %dma_start3A_518] : memref<80x125xi32, #tpu.memory_space<vmem>> -> memref<1x125xi32, #tpu.memory_space<vmem>>
      %dma_start3A_520 = tpu.memref_squeeze %dma_start3A_519 : memref<1x125xi32, #tpu.memory_space<vmem>> -> memref<125xi32, #tpu.memory_space<vmem>>
      %dma_start3A_521 = arith.constant 0 : i32
      %dma_start3A_522 = arith.constant 0 : i32
      %dma_start3A_523 = tpu.memref_slice %arg10[%dma_start3A_521, %dma_start3A_522] : memref<10112x16xf32, #tpu.memory_space<vmem_shared>> -> memref<10112x16xf32, #tpu.memory_space<vmem_shared>>
      tpu.enqueue_indirect_dma source(%dma_start3A_517 : memref<125x16xf32, #tpu.memory_space<vmem>>) target(%dma_start3A_523 : memref<10112x16xf32, #tpu.memory_space<vmem_shared>>) offsets(%dma_start3A_520 : memref<125xi32, #tpu.memory_space<vmem>>) semaphore(%arg21 : memref<!tpu.dma_semaphore, #tpu.memory_space<semaphore_mem>>) {add = true}
      %add3A_524 = arith.constant 1 : i32
      %add3A_525 = arith.addi %mul3A_497, %add3A_524 : i32
      %dma_wait3A_526 = arith.constant 1 : i32
      %dma_wait3A_527 = arith.constant 0 : i32
      %dma_wait3A_528 = arith.constant 0 : i32
      %dma_wait3A_529 = tpu.memref_slice %arg8[%dma_wait3A_526, %dma_wait3A_527, %dma_wait3A_528] : memref<10x125x16xf32, #tpu.memory_space<vmem>> -> memref<1x125x16xf32, #tpu.memory_space<vmem>>
      %dma_wait3A_530 = tpu.memref_squeeze %dma_wait3A_529 : memref<1x125x16xf32, #tpu.memory_space<vmem>> -> memref<125x16xf32, #tpu.memory_space<vmem>>
      %dma_wait3A_531 = arith.constant 0 : i32
      %dma_wait3A_532 = tpu.memref_slice %arg6[%add3A_525, %dma_wait3A_531] : memref<80x125xi32, #tpu.memory_space<vmem>> -> memref<1x125xi32, #tpu.memory_space<vmem>>
      %dma_wait3A_533 = tpu.memref_squeeze %dma_wait3A_532 : memref<1x125xi32, #tpu.memory_space<vmem>> -> memref<125xi32, #tpu.memory_space<vmem>>
      %dma_wait3A_534 = arith.constant 0 : i32
      %dma_wait3A_535 = arith.constant 0 : i32
      %dma_wait3A_536 = tpu.memref_slice %arg2[%dma_wait3A_534, %dma_wait3A_535] : memref<320000x16xf32, #tpu.memory_space<hbm>> -> memref<320000x16xf32, #tpu.memory_space<hbm>>
      tpu.wait_indirect_dma semaphore(%arg12 : memref<!tpu.dma_semaphore, #tpu.memory_space<semaphore_mem>>) src(%dma_wait3A_536 : memref<320000x16xf32, #tpu.memory_space<hbm>>) dst(%dma_wait3A_530 : memref<125x16xf32, #tpu.memory_space<vmem>>)
      %add3A_537 = arith.constant 1 : i32
      %add3A_538 = arith.addi %mul3A_497, %add3A_537 : i32
      %dma_start3A_539 = arith.constant 1 : i32
      %dma_start3A_540 = arith.constant 0 : i32
      %dma_start3A_541 = arith.constant 0 : i32
      %dma_start3A_542 = tpu.memref_slice %arg8[%dma_start3A_539, %dma_start3A_540, %dma_start3A_541] : memref<10x125x16xf32, #tpu.memory_space<vmem>> -> memref<1x125x16xf32, #tpu.memory_space<vmem>>
      %dma_start3A_543 = tpu.memref_squeeze %dma_start3A_542 : memref<1x125x16xf32, #tpu.memory_space<vmem>> -> memref<125x16xf32, #tpu.memory_space<vmem>>
      %dma_start3A_544 = arith.constant 0 : i32
      %dma_start3A_545 = tpu.memref_slice %arg7[%add3A_538, %dma_start3A_544] : memref<80x125xi32, #tpu.memory_space<vmem>> -> memref<1x125xi32, #tpu.memory_space<vmem>>
      %dma_start3A_546 = tpu.memref_squeeze %dma_start3A_545 : memref<1x125xi32, #tpu.memory_space<vmem>> -> memref<125xi32, #tpu.memory_space<vmem>>
      %dma_start3A_547 = arith.constant 0 : i32
      %dma_start3A_548 = arith.constant 0 : i32
      %dma_start3A_549 = tpu.memref_slice %arg10[%dma_start3A_547, %dma_start3A_548] : memref<10112x16xf32, #tpu.memory_space<vmem_shared>> -> memref<10112x16xf32, #tpu.memory_space<vmem_shared>>
      tpu.enqueue_indirect_dma source(%dma_start3A_543 : memref<125x16xf32, #tpu.memory_space<vmem>>) target(%dma_start3A_549 : memref<10112x16xf32, #tpu.memory_space<vmem_shared>>) offsets(%dma_start3A_546 : memref<125xi32, #tpu.memory_space<vmem>>) semaphore(%arg22 : memref<!tpu.dma_semaphore, #tpu.memory_space<semaphore_mem>>) {add = true}
      %add3A_550 = arith.constant 2 : i32
      %add3A_551 = arith.addi %mul3A_497, %add3A_550 : i32
      %dma_wait3A_552 = arith.constant 2 : i32
      %dma_wait3A_553 = arith.constant 0 : i32
      %dma_wait3A_554 = arith.constant 0 : i32
      %dma_wait3A_555 = tpu.memref_slice %arg8[%dma_wait3A_552, %dma_wait3A_553, %dma_wait3A_554] : memref<10x125x16xf32, #tpu.memory_space<vmem>> -> memref<1x125x16xf32, #tpu.memory_space<vmem>>
      %dma_wait3A_556 = tpu.memref_squeeze %dma_wait3A_555 : memref<1x125x16xf32, #tpu.memory_space<vmem>> -> memref<125x16xf32, #tpu.memory_space<vmem>>
      %dma_wait3A_557 = arith.constant 0 : i32
      %dma_wait3A_558 = tpu.memref_slice %arg6[%add3A_551, %dma_wait3A_557] : memref<80x125xi32, #tpu.memory_space<vmem>> -> memref<1x125xi32, #tpu.memory_space<vmem>>
      %dma_wait3A_559 = tpu.memref_squeeze %dma_wait3A_558 : memref<1x125xi32, #tpu.memory_space<vmem>> -> memref<125xi32, #tpu.memory_space<vmem>>
      %dma_wait3A_560 = arith.constant 0 : i32
      %dma_wait3A_561 = arith.constant 0 : i32
      %dma_wait3A_562 = tpu.memref_slice %arg2[%dma_wait3A_560, %dma_wait3A_561] : memref<320000x16xf32, #tpu.memory_space<hbm>> -> memref<320000x16xf32, #tpu.memory_space<hbm>>
      tpu.wait_indirect_dma semaphore(%arg13 : memref<!tpu.dma_semaphore, #tpu.memory_space<semaphore_mem>>) src(%dma_wait3A_562 : memref<320000x16xf32, #tpu.memory_space<hbm>>) dst(%dma_wait3A_556 : memref<125x16xf32, #tpu.memory_space<vmem>>)
      %add3A_563 = arith.constant 2 : i32
      %add3A_564 = arith.addi %mul3A_497, %add3A_563 : i32
      %dma_start3A_565 = arith.constant 2 : i32
      %dma_start3A_566 = arith.constant 0 : i32
      %dma_start3A_567 = arith.constant 0 : i32
      %dma_start3A_568 = tpu.memref_slice %arg8[%dma_start3A_565, %dma_start3A_566, %dma_start3A_567] : memref<10x125x16xf32, #tpu.memory_space<vmem>> -> memref<1x125x16xf32, #tpu.memory_space<vmem>>
      %dma_start3A_569 = tpu.memref_squeeze %dma_start3A_568 : memref<1x125x16xf32, #tpu.memory_space<vmem>> -> memref<125x16xf32, #tpu.memory_space<vmem>>
      %dma_start3A_570 = arith.constant 0 : i32
      %dma_start3A_571 = tpu.memref_slice %arg7[%add3A_564, %dma_start3A_570] : memref<80x125xi32, #tpu.memory_space<vmem>> -> memref<1x125xi32, #tpu.memory_space<vmem>>
      %dma_start3A_572 = tpu.memref_squeeze %dma_start3A_571 : memref<1x125xi32, #tpu.memory_space<vmem>> -> memref<125xi32, #tpu.memory_space<vmem>>
      %dma_start3A_573 = arith.constant 0 : i32
      %dma_start3A_574 = arith.constant 0 : i32
      %dma_start3A_575 = tpu.memref_slice %arg10[%dma_start3A_573, %dma_start3A_574] : memref<10112x16xf32, #tpu.memory_space<vmem_shared>> -> memref<10112x16xf32, #tpu.memory_space<vmem_shared>>
      tpu.enqueue_indirect_dma source(%dma_start3A_569 : memref<125x16xf32, #tpu.memory_space<vmem>>) target(%dma_start3A_575 : memref<10112x16xf32, #tpu.memory_space<vmem_shared>>) offsets(%dma_start3A_572 : memref<125xi32, #tpu.memory_space<vmem>>) semaphore(%arg23 : memref<!tpu.dma_semaphore, #tpu.memory_space<semaphore_mem>>) {add = true}
      %add3A_576 = arith.constant 3 : i32
      %add3A_577 = arith.addi %mul3A_497, %add3A_576 : i32
      %dma_wait3A_578 = arith.constant 3 : i32
      %dma_wait3A_579 = arith.constant 0 : i32
      %dma_wait3A_580 = arith.constant 0 : i32
      %dma_wait3A_581 = tpu.memref_slice %arg8[%dma_wait3A_578, %dma_wait3A_579, %dma_wait3A_580] : memref<10x125x16xf32, #tpu.memory_space<vmem>> -> memref<1x125x16xf32, #tpu.memory_space<vmem>>
      %dma_wait3A_582 = tpu.memref_squeeze %dma_wait3A_581 : memref<1x125x16xf32, #tpu.memory_space<vmem>> -> memref<125x16xf32, #tpu.memory_space<vmem>>
      %dma_wait3A_583 = arith.constant 0 : i32
      %dma_wait3A_584 = tpu.memref_slice %arg6[%add3A_577, %dma_wait3A_583] : memref<80x125xi32, #tpu.memory_space<vmem>> -> memref<1x125xi32, #tpu.memory_space<vmem>>
      %dma_wait3A_585 = tpu.memref_squeeze %dma_wait3A_584 : memref<1x125xi32, #tpu.memory_space<vmem>> -> memref<125xi32, #tpu.memory_space<vmem>>
      %dma_wait3A_586 = arith.constant 0 : i32
      %dma_wait3A_587 = arith.constant 0 : i32
      %dma_wait3A_588 = tpu.memref_slice %arg2[%dma_wait3A_586, %dma_wait3A_587] : memref<320000x16xf32, #tpu.memory_space<hbm>> -> memref<320000x16xf32, #tpu.memory_space<hbm>>
      tpu.wait_indirect_dma semaphore(%arg14 : memref<!tpu.dma_semaphore, #tpu.memory_space<semaphore_mem>>) src(%dma_wait3A_588 : memref<320000x16xf32, #tpu.memory_space<hbm>>) dst(%dma_wait3A_582 : memref<125x16xf32, #tpu.memory_space<vmem>>)
      %add3A_589 = arith.constant 3 : i32
      %add3A_590 = arith.addi %mul3A_497, %add3A_589 : i32
      %dma_start3A_591 = arith.constant 3 : i32
      %dma_start3A_592 = arith.constant 0 : i32
      %dma_start3A_593 = arith.constant 0 : i32
      %dma_start3A_594 = tpu.memref_slice %arg8[%dma_start3A_591, %dma_start3A_592, %dma_start3A_593] : memref<10x125x16xf32, #tpu.memory_space<vmem>> -> memref<1x125x16xf32, #tpu.memory_space<vmem>>
      %dma_start3A_595 = tpu.memref_squeeze %dma_start3A_594 : memref<1x125x16xf32, #tpu.memory_space<vmem>> -> memref<125x16xf32, #tpu.memory_space<vmem>>
      %dma_start3A_596 = arith.constant 0 : i32
      %dma_start3A_597 = tpu.memref_slice %arg7[%add3A_590, %dma_start3A_596] : memref<80x125xi32, #tpu.memory_space<vmem>> -> memref<1x125xi32, #tpu.memory_space<vmem>>
      %dma_start3A_598 = tpu.memref_squeeze %dma_start3A_597 : memref<1x125xi32, #tpu.memory_space<vmem>> -> memref<125xi32, #tpu.memory_space<vmem>>
      %dma_start3A_599 = arith.constant 0 : i32
      %dma_start3A_600 = arith.constant 0 : i32
      %dma_start3A_601 = tpu.memref_slice %arg10[%dma_start3A_599, %dma_start3A_600] : memref<10112x16xf32, #tpu.memory_space<vmem_shared>> -> memref<10112x16xf32, #tpu.memory_space<vmem_shared>>
      tpu.enqueue_indirect_dma source(%dma_start3A_595 : memref<125x16xf32, #tpu.memory_space<vmem>>) target(%dma_start3A_601 : memref<10112x16xf32, #tpu.memory_space<vmem_shared>>) offsets(%dma_start3A_598 : memref<125xi32, #tpu.memory_space<vmem>>) semaphore(%arg24 : memref<!tpu.dma_semaphore, #tpu.memory_space<semaphore_mem>>) {add = true}
      %add3A_602 = arith.constant 4 : i32
      %add3A_603 = arith.addi %mul3A_497, %add3A_602 : i32
      %dma_wait3A_604 = arith.constant 4 : i32
      %dma_wait3A_605 = arith.constant 0 : i32
      %dma_wait3A_606 = arith.constant 0 : i32
      %dma_wait3A_607 = tpu.memref_slice %arg8[%dma_wait3A_604, %dma_wait3A_605, %dma_wait3A_606] : memref<10x125x16xf32, #tpu.memory_space<vmem>> -> memref<1x125x16xf32, #tpu.memory_space<vmem>>
      %dma_wait3A_608 = tpu.memref_squeeze %dma_wait3A_607 : memref<1x125x16xf32, #tpu.memory_space<vmem>> -> memref<125x16xf32, #tpu.memory_space<vmem>>
      %dma_wait3A_609 = arith.constant 0 : i32
      %dma_wait3A_610 = tpu.memref_slice %arg6[%add3A_603, %dma_wait3A_609] : memref<80x125xi32, #tpu.memory_space<vmem>> -> memref<1x125xi32, #tpu.memory_space<vmem>>
      %dma_wait3A_611 = tpu.memref_squeeze %dma_wait3A_610 : memref<1x125xi32, #tpu.memory_space<vmem>> -> memref<125xi32, #tpu.memory_space<vmem>>
      %dma_wait3A_612 = arith.constant 0 : i32
      %dma_wait3A_613 = arith.constant 0 : i32
      %dma_wait3A_614 = tpu.memref_slice %arg2[%dma_wait3A_612, %dma_wait3A_613] : memref<320000x16xf32, #tpu.memory_space<hbm>> -> memref<320000x16xf32, #tpu.memory_space<hbm>>
      tpu.wait_indirect_dma semaphore(%arg15 : memref<!tpu.dma_semaphore, #tpu.memory_space<semaphore_mem>>) src(%dma_wait3A_614 : memref<320000x16xf32, #tpu.memory_space<hbm>>) dst(%dma_wait3A_608 : memref<125x16xf32, #tpu.memory_space<vmem>>)
      %add3A_615 = arith.constant 4 : i32
      %add3A_616 = arith.addi %mul3A_497, %add3A_615 : i32
      %dma_start3A_617 = arith.constant 4 : i32
      %dma_start3A_618 = arith.constant 0 : i32
      %dma_start3A_619 = arith.constant 0 : i32
      %dma_start3A_620 = tpu.memref_slice %arg8[%dma_start3A_617, %dma_start3A_618, %dma_start3A_619] : memref<10x125x16xf32, #tpu.memory_space<vmem>> -> memref<1x125x16xf32, #tpu.memory_space<vmem>>
      %dma_start3A_621 = tpu.memref_squeeze %dma_start3A_620 : memref<1x125x16xf32, #tpu.memory_space<vmem>> -> memref<125x16xf32, #tpu.memory_space<vmem>>
      %dma_start3A_622 = arith.constant 0 : i32
      %dma_start3A_623 = tpu.memref_slice %arg7[%add3A_616, %dma_start3A_622] : memref<80x125xi32, #tpu.memory_space<vmem>> -> memref<1x125xi32, #tpu.memory_space<vmem>>
      %dma_start3A_624 = tpu.memref_squeeze %dma_start3A_623 : memref<1x125xi32, #tpu.memory_space<vmem>> -> memref<125xi32, #tpu.memory_space<vmem>>
      %dma_start3A_625 = arith.constant 0 : i32
      %dma_start3A_626 = arith.constant 0 : i32
      %dma_start3A_627 = tpu.memref_slice %arg10[%dma_start3A_625, %dma_start3A_626] : memref<10112x16xf32, #tpu.memory_space<vmem_shared>> -> memref<10112x16xf32, #tpu.memory_space<vmem_shared>>
      tpu.enqueue_indirect_dma source(%dma_start3A_621 : memref<125x16xf32, #tpu.memory_space<vmem>>) target(%dma_start3A_627 : memref<10112x16xf32, #tpu.memory_space<vmem_shared>>) offsets(%dma_start3A_624 : memref<125xi32, #tpu.memory_space<vmem>>) semaphore(%arg25 : memref<!tpu.dma_semaphore, #tpu.memory_space<semaphore_mem>>) {add = true}
      %add3A_628 = arith.constant 5 : i32
      %add3A_629 = arith.addi %mul3A_497, %add3A_628 : i32
      %dma_wait3A_630 = arith.constant 5 : i32
      %dma_wait3A_631 = arith.constant 0 : i32
      %dma_wait3A_632 = arith.constant 0 : i32
      %dma_wait3A_633 = tpu.memref_slice %arg8[%dma_wait3A_630, %dma_wait3A_631, %dma_wait3A_632] : memref<10x125x16xf32, #tpu.memory_space<vmem>> -> memref<1x125x16xf32, #tpu.memory_space<vmem>>
      %dma_wait3A_634 = tpu.memref_squeeze %dma_wait3A_633 : memref<1x125x16xf32, #tpu.memory_space<vmem>> -> memref<125x16xf32, #tpu.memory_space<vmem>>
      %dma_wait3A_635 = arith.constant 0 : i32
      %dma_wait3A_636 = tpu.memref_slice %arg6[%add3A_629, %dma_wait3A_635] : memref<80x125xi32, #tpu.memory_space<vmem>> -> memref<1x125xi32, #tpu.memory_space<vmem>>
      %dma_wait3A_637 = tpu.memref_squeeze %dma_wait3A_636 : memref<1x125xi32, #tpu.memory_space<vmem>> -> memref<125xi32, #tpu.memory_space<vmem>>
      %dma_wait3A_638 = arith.constant 0 : i32
      %dma_wait3A_639 = arith.constant 0 : i32
      %dma_wait3A_640 = tpu.memref_slice %arg2[%dma_wait3A_638, %dma_wait3A_639] : memref<320000x16xf32, #tpu.memory_space<hbm>> -> memref<320000x16xf32, #tpu.memory_space<hbm>>
      tpu.wait_indirect_dma semaphore(%arg16 : memref<!tpu.dma_semaphore, #tpu.memory_space<semaphore_mem>>) src(%dma_wait3A_640 : memref<320000x16xf32, #tpu.memory_space<hbm>>) dst(%dma_wait3A_634 : memref<125x16xf32, #tpu.memory_space<vmem>>)
      %add3A_641 = arith.constant 5 : i32
      %add3A_642 = arith.addi %mul3A_497, %add3A_641 : i32
      %dma_start3A_643 = arith.constant 5 : i32
      %dma_start3A_644 = arith.constant 0 : i32
      %dma_start3A_645 = arith.constant 0 : i32
      %dma_start3A_646 = tpu.memref_slice %arg8[%dma_start3A_643, %dma_start3A_644, %dma_start3A_645] : memref<10x125x16xf32, #tpu.memory_space<vmem>> -> memref<1x125x16xf32, #tpu.memory_space<vmem>>
      %dma_start3A_647 = tpu.memref_squeeze %dma_start3A_646 : memref<1x125x16xf32, #tpu.memory_space<vmem>> -> memref<125x16xf32, #tpu.memory_space<vmem>>
      %dma_start3A_648 = arith.constant 0 : i32
      %dma_start3A_649 = tpu.memref_slice %arg7[%add3A_642, %dma_start3A_648] : memref<80x125xi32, #tpu.memory_space<vmem>> -> memref<1x125xi32, #tpu.memory_space<vmem>>
      %dma_start3A_650 = tpu.memref_squeeze %dma_start3A_649 : memref<1x125xi32, #tpu.memory_space<vmem>> -> memref<125xi32, #tpu.memory_space<vmem>>
      %dma_start3A_651 = arith.constant 0 : i32
      %dma_start3A_652 = arith.constant 0 : i32
      %dma_start3A_653 = tpu.memref_slice %arg10[%dma_start3A_651, %dma_start3A_652] : memref<10112x16xf32, #tpu.memory_space<vmem_shared>> -> memref<10112x16xf32, #tpu.memory_space<vmem_shared>>
      tpu.enqueue_indirect_dma source(%dma_start3A_647 : memref<125x16xf32, #tpu.memory_space<vmem>>) target(%dma_start3A_653 : memref<10112x16xf32, #tpu.memory_space<vmem_shared>>) offsets(%dma_start3A_650 : memref<125xi32, #tpu.memory_space<vmem>>) semaphore(%arg26 : memref<!tpu.dma_semaphore, #tpu.memory_space<semaphore_mem>>) {add = true}
      %add3A_654 = arith.constant 6 : i32
      %add3A_655 = arith.addi %mul3A_497, %add3A_654 : i32
      %dma_wait3A_656 = arith.constant 6 : i32
      %dma_wait3A_657 = arith.constant 0 : i32
      %dma_wait3A_658 = arith.constant 0 : i32
      %dma_wait3A_659 = tpu.memref_slice %arg8[%dma_wait3A_656, %dma_wait3A_657, %dma_wait3A_658] : memref<10x125x16xf32, #tpu.memory_space<vmem>> -> memref<1x125x16xf32, #tpu.memory_space<vmem>>
      %dma_wait3A_660 = tpu.memref_squeeze %dma_wait3A_659 : memref<1x125x16xf32, #tpu.memory_space<vmem>> -> memref<125x16xf32, #tpu.memory_space<vmem>>
      %dma_wait3A_661 = arith.constant 0 : i32
      %dma_wait3A_662 = tpu.memref_slice %arg6[%add3A_655, %dma_wait3A_661] : memref<80x125xi32, #tpu.memory_space<vmem>> -> memref<1x125xi32, #tpu.memory_space<vmem>>
      %dma_wait3A_663 = tpu.memref_squeeze %dma_wait3A_662 : memref<1x125xi32, #tpu.memory_space<vmem>> -> memref<125xi32, #tpu.memory_space<vmem>>
      %dma_wait3A_664 = arith.constant 0 : i32
      %dma_wait3A_665 = arith.constant 0 : i32
      %dma_wait3A_666 = tpu.memref_slice %arg2[%dma_wait3A_664, %dma_wait3A_665] : memref<320000x16xf32, #tpu.memory_space<hbm>> -> memref<320000x16xf32, #tpu.memory_space<hbm>>
      tpu.wait_indirect_dma semaphore(%arg17 : memref<!tpu.dma_semaphore, #tpu.memory_space<semaphore_mem>>) src(%dma_wait3A_666 : memref<320000x16xf32, #tpu.memory_space<hbm>>) dst(%dma_wait3A_660 : memref<125x16xf32, #tpu.memory_space<vmem>>)
      %add3A_667 = arith.constant 6 : i32
      %add3A_668 = arith.addi %mul3A_497, %add3A_667 : i32
      %dma_start3A_669 = arith.constant 6 : i32
      %dma_start3A_670 = arith.constant 0 : i32
      %dma_start3A_671 = arith.constant 0 : i32
      %dma_start3A_672 = tpu.memref_slice %arg8[%dma_start3A_669, %dma_start3A_670, %dma_start3A_671] : memref<10x125x16xf32, #tpu.memory_space<vmem>> -> memref<1x125x16xf32, #tpu.memory_space<vmem>>
      %dma_start3A_673 = tpu.memref_squeeze %dma_start3A_672 : memref<1x125x16xf32, #tpu.memory_space<vmem>> -> memref<125x16xf32, #tpu.memory_space<vmem>>
      %dma_start3A_674 = arith.constant 0 : i32
      %dma_start3A_675 = tpu.memref_slice %arg7[%add3A_668, %dma_start3A_674] : memref<80x125xi32, #tpu.memory_space<vmem>> -> memref<1x125xi32, #tpu.memory_space<vmem>>
      %dma_start3A_676 = tpu.memref_squeeze %dma_start3A_675 : memref<1x125xi32, #tpu.memory_space<vmem>> -> memref<125xi32, #tpu.memory_space<vmem>>
      %dma_start3A_677 = arith.constant 0 : i32
      %dma_start3A_678 = arith.constant 0 : i32
      %dma_start3A_679 = tpu.memref_slice %arg10[%dma_start3A_677, %dma_start3A_678] : memref<10112x16xf32, #tpu.memory_space<vmem_shared>> -> memref<10112x16xf32, #tpu.memory_space<vmem_shared>>
      tpu.enqueue_indirect_dma source(%dma_start3A_673 : memref<125x16xf32, #tpu.memory_space<vmem>>) target(%dma_start3A_679 : memref<10112x16xf32, #tpu.memory_space<vmem_shared>>) offsets(%dma_start3A_676 : memref<125xi32, #tpu.memory_space<vmem>>) semaphore(%arg27 : memref<!tpu.dma_semaphore, #tpu.memory_space<semaphore_mem>>) {add = true}
      %add3A_680 = arith.constant 7 : i32
      %add3A_681 = arith.addi %mul3A_497, %add3A_680 : i32
      %dma_wait3A_682 = arith.constant 7 : i32
      %dma_wait3A_683 = arith.constant 0 : i32
      %dma_wait3A_684 = arith.constant 0 : i32
      %dma_wait3A_685 = tpu.memref_slice %arg8[%dma_wait3A_682, %dma_wait3A_683, %dma_wait3A_684] : memref<10x125x16xf32, #tpu.memory_space<vmem>> -> memref<1x125x16xf32, #tpu.memory_space<vmem>>
      %dma_wait3A_686 = tpu.memref_squeeze %dma_wait3A_685 : memref<1x125x16xf32, #tpu.memory_space<vmem>> -> memref<125x16xf32, #tpu.memory_space<vmem>>
      %dma_wait3A_687 = arith.constant 0 : i32
      %dma_wait3A_688 = tpu.memref_slice %arg6[%add3A_681, %dma_wait3A_687] : memref<80x125xi32, #tpu.memory_space<vmem>> -> memref<1x125xi32, #tpu.memory_space<vmem>>
      %dma_wait3A_689 = tpu.memref_squeeze %dma_wait3A_688 : memref<1x125xi32, #tpu.memory_space<vmem>> -> memref<125xi32, #tpu.memory_space<vmem>>
      %dma_wait3A_690 = arith.constant 0 : i32
      %dma_wait3A_691 = arith.constant 0 : i32
      %dma_wait3A_692 = tpu.memref_slice %arg2[%dma_wait3A_690, %dma_wait3A_691] : memref<320000x16xf32, #tpu.memory_space<hbm>> -> memref<320000x16xf32, #tpu.memory_space<hbm>>
      tpu.wait_indirect_dma semaphore(%arg18 : memref<!tpu.dma_semaphore, #tpu.memory_space<semaphore_mem>>) src(%dma_wait3A_692 : memref<320000x16xf32, #tpu.memory_space<hbm>>) dst(%dma_wait3A_686 : memref<125x16xf32, #tpu.memory_space<vmem>>)
      %add3A_693 = arith.constant 7 : i32
      %add3A_694 = arith.addi %mul3A_497, %add3A_693 : i32
      %dma_start3A_695 = arith.constant 7 : i32
      %dma_start3A_696 = arith.constant 0 : i32
      %dma_start3A_697 = arith.constant 0 : i32
      %dma_start3A_698 = tpu.memref_slice %arg8[%dma_start3A_695, %dma_start3A_696, %dma_start3A_697] : memref<10x125x16xf32, #tpu.memory_space<vmem>> -> memref<1x125x16xf32, #tpu.memory_space<vmem>>
      %dma_start3A_699 = tpu.memref_squeeze %dma_start3A_698 : memref<1x125x16xf32, #tpu.memory_space<vmem>> -> memref<125x16xf32, #tpu.memory_space<vmem>>
      %dma_start3A_700 = arith.constant 0 : i32
      %dma_start3A_701 = tpu.memref_slice %arg7[%add3A_694, %dma_start3A_700] : memref<80x125xi32, #tpu.memory_space<vmem>> -> memref<1x125xi32, #tpu.memory_space<vmem>>
      %dma_start3A_702 = tpu.memref_squeeze %dma_start3A_701 : memref<1x125xi32, #tpu.memory_space<vmem>> -> memref<125xi32, #tpu.memory_space<vmem>>
      %dma_start3A_703 = arith.constant 0 : i32
      %dma_start3A_704 = arith.constant 0 : i32
      %dma_start3A_705 = tpu.memref_slice %arg10[%dma_start3A_703, %dma_start3A_704] : memref<10112x16xf32, #tpu.memory_space<vmem_shared>> -> memref<10112x16xf32, #tpu.memory_space<vmem_shared>>
      tpu.enqueue_indirect_dma source(%dma_start3A_699 : memref<125x16xf32, #tpu.memory_space<vmem>>) target(%dma_start3A_705 : memref<10112x16xf32, #tpu.memory_space<vmem_shared>>) offsets(%dma_start3A_702 : memref<125xi32, #tpu.memory_space<vmem>>) semaphore(%arg28 : memref<!tpu.dma_semaphore, #tpu.memory_space<semaphore_mem>>) {add = true}
      %add3A_706 = arith.constant 8 : i32
      %add3A_707 = arith.addi %mul3A_497, %add3A_706 : i32
      %dma_wait3A_708 = arith.constant 8 : i32
      %dma_wait3A_709 = arith.constant 0 : i32
      %dma_wait3A_710 = arith.constant 0 : i32
      %dma_wait3A_711 = tpu.memref_slice %arg8[%dma_wait3A_708, %dma_wait3A_709, %dma_wait3A_710] : memref<10x125x16xf32, #tpu.memory_space<vmem>> -> memref<1x125x16xf32, #tpu.memory_space<vmem>>
      %dma_wait3A_712 = tpu.memref_squeeze %dma_wait3A_711 : memref<1x125x16xf32, #tpu.memory_space<vmem>> -> memref<125x16xf32, #tpu.memory_space<vmem>>
      %dma_wait3A_713 = arith.constant 0 : i32
      %dma_wait3A_714 = tpu.memref_slice %arg6[%add3A_707, %dma_wait3A_713] : memref<80x125xi32, #tpu.memory_space<vmem>> -> memref<1x125xi32, #tpu.memory_space<vmem>>
      %dma_wait3A_715 = tpu.memref_squeeze %dma_wait3A_714 : memref<1x125xi32, #tpu.memory_space<vmem>> -> memref<125xi32, #tpu.memory_space<vmem>>
      %dma_wait3A_716 = arith.constant 0 : i32
      %dma_wait3A_717 = arith.constant 0 : i32
      %dma_wait3A_718 = tpu.memref_slice %arg2[%dma_wait3A_716, %dma_wait3A_717] : memref<320000x16xf32, #tpu.memory_space<hbm>> -> memref<320000x16xf32, #tpu.memory_space<hbm>>
      tpu.wait_indirect_dma semaphore(%arg19 : memref<!tpu.dma_semaphore, #tpu.memory_space<semaphore_mem>>) src(%dma_wait3A_718 : memref<320000x16xf32, #tpu.memory_space<hbm>>) dst(%dma_wait3A_712 : memref<125x16xf32, #tpu.memory_space<vmem>>)
      %add3A_719 = arith.constant 8 : i32
      %add3A_720 = arith.addi %mul3A_497, %add3A_719 : i32
      %dma_start3A_721 = arith.constant 8 : i32
      %dma_start3A_722 = arith.constant 0 : i32
      %dma_start3A_723 = arith.constant 0 : i32
      %dma_start3A_724 = tpu.memref_slice %arg8[%dma_start3A_721, %dma_start3A_722, %dma_start3A_723] : memref<10x125x16xf32, #tpu.memory_space<vmem>> -> memref<1x125x16xf32, #tpu.memory_space<vmem>>
      %dma_start3A_725 = tpu.memref_squeeze %dma_start3A_724 : memref<1x125x16xf32, #tpu.memory_space<vmem>> -> memref<125x16xf32, #tpu.memory_space<vmem>>
      %dma_start3A_726 = arith.constant 0 : i32
      %dma_start3A_727 = tpu.memref_slice %arg7[%add3A_720, %dma_start3A_726] : memref<80x125xi32, #tpu.memory_space<vmem>> -> memref<1x125xi32, #tpu.memory_space<vmem>>
      %dma_start3A_728 = tpu.memref_squeeze %dma_start3A_727 : memref<1x125xi32, #tpu.memory_space<vmem>> -> memref<125xi32, #tpu.memory_space<vmem>>
      %dma_start3A_729 = arith.constant 0 : i32
      %dma_start3A_730 = arith.constant 0 : i32
      %dma_start3A_731 = tpu.memref_slice %arg10[%dma_start3A_729, %dma_start3A_730] : memref<10112x16xf32, #tpu.memory_space<vmem_shared>> -> memref<10112x16xf32, #tpu.memory_space<vmem_shared>>
      tpu.enqueue_indirect_dma source(%dma_start3A_725 : memref<125x16xf32, #tpu.memory_space<vmem>>) target(%dma_start3A_731 : memref<10112x16xf32, #tpu.memory_space<vmem_shared>>) offsets(%dma_start3A_728 : memref<125xi32, #tpu.memory_space<vmem>>) semaphore(%arg29 : memref<!tpu.dma_semaphore, #tpu.memory_space<semaphore_mem>>) {add = true}
      %add3A_732 = arith.constant 9 : i32
      %add3A_733 = arith.addi %mul3A_497, %add3A_732 : i32
      %dma_wait3A_734 = arith.constant 9 : i32
      %dma_wait3A_735 = arith.constant 0 : i32
      %dma_wait3A_736 = arith.constant 0 : i32
      %dma_wait3A_737 = tpu.memref_slice %arg8[%dma_wait3A_734, %dma_wait3A_735, %dma_wait3A_736] : memref<10x125x16xf32, #tpu.memory_space<vmem>> -> memref<1x125x16xf32, #tpu.memory_space<vmem>>
      %dma_wait3A_738 = tpu.memref_squeeze %dma_wait3A_737 : memref<1x125x16xf32, #tpu.memory_space<vmem>> -> memref<125x16xf32, #tpu.memory_space<vmem>>
      %dma_wait3A_739 = arith.constant 0 : i32
      %dma_wait3A_740 = tpu.memref_slice %arg6[%add3A_733, %dma_wait3A_739] : memref<80x125xi32, #tpu.memory_space<vmem>> -> memref<1x125xi32, #tpu.memory_space<vmem>>
      %dma_wait3A_741 = tpu.memref_squeeze %dma_wait3A_740 : memref<1x125xi32, #tpu.memory_space<vmem>> -> memref<125xi32, #tpu.memory_space<vmem>>
      %dma_wait3A_742 = arith.constant 0 : i32
      %dma_wait3A_743 = arith.constant 0 : i32
      %dma_wait3A_744 = tpu.memref_slice %arg2[%dma_wait3A_742, %dma_wait3A_743] : memref<320000x16xf32, #tpu.memory_space<hbm>> -> memref<320000x16xf32, #tpu.memory_space<hbm>>
      tpu.wait_indirect_dma semaphore(%arg20 : memref<!tpu.dma_semaphore, #tpu.memory_space<semaphore_mem>>) src(%dma_wait3A_744 : memref<320000x16xf32, #tpu.memory_space<hbm>>) dst(%dma_wait3A_738 : memref<125x16xf32, #tpu.memory_space<vmem>>)
      %add3A_745 = arith.constant 9 : i32
      %add3A_746 = arith.addi %mul3A_497, %add3A_745 : i32
      %dma_start3A_747 = arith.constant 9 : i32
      %dma_start3A_748 = arith.constant 0 : i32
      %dma_start3A_749 = arith.constant 0 : i32
      %dma_start3A_750 = tpu.memref_slice %arg8[%dma_start3A_747, %dma_start3A_748, %dma_start3A_749] : memref<10x125x16xf32, #tpu.memory_space<vmem>> -> memref<1x125x16xf32, #tpu.memory_space<vmem>>
      %dma_start3A_751 = tpu.memref_squeeze %dma_start3A_750 : memref<1x125x16xf32, #tpu.memory_space<vmem>> -> memref<125x16xf32, #tpu.memory_space<vmem>>
      %dma_start3A_752 = arith.constant 0 : i32
      %dma_start3A_753 = tpu.memref_slice %arg7[%add3A_746, %dma_start3A_752] : memref<80x125xi32, #tpu.memory_space<vmem>> -> memref<1x125xi32, #tpu.memory_space<vmem>>
      %dma_start3A_754 = tpu.memref_squeeze %dma_start3A_753 : memref<1x125xi32, #tpu.memory_space<vmem>> -> memref<125xi32, #tpu.memory_space<vmem>>
      %dma_start3A_755 = arith.constant 0 : i32
      %dma_start3A_756 = arith.constant 0 : i32
      %dma_start3A_757 = tpu.memref_slice %arg10[%dma_start3A_755, %dma_start3A_756] : memref<10112x16xf32, #tpu.memory_space<vmem_shared>> -> memref<10112x16xf32, #tpu.memory_space<vmem_shared>>
      tpu.enqueue_indirect_dma source(%dma_start3A_751 : memref<125x16xf32, #tpu.memory_space<vmem>>) target(%dma_start3A_757 : memref<10112x16xf32, #tpu.memory_space<vmem_shared>>) offsets(%dma_start3A_754 : memref<125xi32, #tpu.memory_space<vmem>>) semaphore(%arg30 : memref<!tpu.dma_semaphore, #tpu.memory_space<semaphore_mem>>) {add = true}
      %add3A_758 = arith.constant 0 : i32
      %add3A_759 = arith.addi %mul3A_497, %add3A_758 : i32
      %dma_wait3A_760 = arith.constant 0 : i32
      %dma_wait3A_761 = arith.constant 0 : i32
      %dma_wait3A_762 = arith.constant 0 : i32
      %dma_wait3A_763 = tpu.memref_slice %arg8[%dma_wait3A_760, %dma_wait3A_761, %dma_wait3A_762] : memref<10x125x16xf32, #tpu.memory_space<vmem>> -> memref<1x125x16xf32, #tpu.memory_space<vmem>>
      %dma_wait3A_764 = tpu.memref_squeeze %dma_wait3A_763 : memref<1x125x16xf32, #tpu.memory_space<vmem>> -> memref<125x16xf32, #tpu.memory_space<vmem>>
      %dma_wait3A_765 = arith.constant 0 : i32
      %dma_wait3A_766 = tpu.memref_slice %arg7[%add3A_759, %dma_wait3A_765] : memref<80x125xi32, #tpu.memory_space<vmem>> -> memref<1x125xi32, #tpu.memory_space<vmem>>
      %dma_wait3A_767 = tpu.memref_squeeze %dma_wait3A_766 : memref<1x125xi32, #tpu.memory_space<vmem>> -> memref<125xi32, #tpu.memory_space<vmem>>
      %dma_wait3A_768 = arith.constant 0 : i32
      %dma_wait3A_769 = arith.constant 0 : i32
      %dma_wait3A_770 = tpu.memref_slice %arg10[%dma_wait3A_768, %dma_wait3A_769] : memref<10112x16xf32, #tpu.memory_space<vmem_shared>> -> memref<10112x16xf32, #tpu.memory_space<vmem_shared>>
      tpu.wait_indirect_dma semaphore(%arg21 : memref<!tpu.dma_semaphore, #tpu.memory_space<semaphore_mem>>) src(%dma_wait3A_764 : memref<125x16xf32, #tpu.memory_space<vmem>>) dst(%dma_wait3A_770 : memref<10112x16xf32, #tpu.memory_space<vmem_shared>>)
      %add3A_771 = arith.constant 10 : i32
      %add3A_772 = arith.addi %mul3A_497, %add3A_771 : i32
      %add3A_773 = arith.constant 0 : i32
      %add3A_774 = arith.addi %add3A_772, %add3A_773 : i32
      %dma_start3A_775 = arith.constant 0 : i32
      %dma_start3A_776 = arith.constant 0 : i32
      %dma_start3A_777 = arith.constant 0 : i32
      %dma_start3A_778 = tpu.memref_slice %arg8[%dma_start3A_775, %dma_start3A_776, %dma_start3A_777] : memref<10x125x16xf32, #tpu.memory_space<vmem>> -> memref<1x125x16xf32, #tpu.memory_space<vmem>>
      %dma_start3A_779 = tpu.memref_squeeze %dma_start3A_778 : memref<1x125x16xf32, #tpu.memory_space<vmem>> -> memref<125x16xf32, #tpu.memory_space<vmem>>
      %dma_start3A_780 = arith.constant 0 : i32
      %dma_start3A_781 = tpu.memref_slice %arg6[%add3A_774, %dma_start3A_780] : memref<80x125xi32, #tpu.memory_space<vmem>> -> memref<1x125xi32, #tpu.memory_space<vmem>>
      %dma_start3A_782 = tpu.memref_squeeze %dma_start3A_781 : memref<1x125xi32, #tpu.memory_space<vmem>> -> memref<125xi32, #tpu.memory_space<vmem>>
      %dma_start3A_783 = arith.constant 0 : i32
      %dma_start3A_784 = arith.constant 0 : i32
      %dma_start3A_785 = tpu.memref_slice %arg2[%dma_start3A_783, %dma_start3A_784] : memref<320000x16xf32, #tpu.memory_space<hbm>> -> memref<320000x16xf32, #tpu.memory_space<hbm>>
      tpu.enqueue_indirect_dma source(%dma_start3A_785 : memref<320000x16xf32, #tpu.memory_space<hbm>>) target(%dma_start3A_779 : memref<125x16xf32, #tpu.memory_space<vmem>>) offsets(%dma_start3A_782 : memref<125xi32, #tpu.memory_space<vmem>>) semaphore(%arg11 : memref<!tpu.dma_semaphore, #tpu.memory_space<semaphore_mem>>)
      %add3A_786 = arith.constant 1 : i32
      %add3A_787 = arith.addi %mul3A_497, %add3A_786 : i32
      %dma_wait3A_788 = arith.constant 1 : i32
      %dma_wait3A_789 = arith.constant 0 : i32
      %dma_wait3A_790 = arith.constant 0 : i32
      %dma_wait3A_791 = tpu.memref_slice %arg8[%dma_wait3A_788, %dma_wait3A_789, %dma_wait3A_790] : memref<10x125x16xf32, #tpu.memory_space<vmem>> -> memref<1x125x16xf32, #tpu.memory_space<vmem>>
      %dma_wait3A_792 = tpu.memref_squeeze %dma_wait3A_791 : memref<1x125x16xf32, #tpu.memory_space<vmem>> -> memref<125x16xf32, #tpu.memory_space<vmem>>
      %dma_wait3A_793 = arith.constant 0 : i32
      %dma_wait3A_794 = tpu.memref_slice %arg7[%add3A_787, %dma_wait3A_793] : memref<80x125xi32, #tpu.memory_space<vmem>> -> memref<1x125xi32, #tpu.memory_space<vmem>>
      %dma_wait3A_795 = tpu.memref_squeeze %dma_wait3A_794 : memref<1x125xi32, #tpu.memory_space<vmem>> -> memref<125xi32, #tpu.memory_space<vmem>>
      %dma_wait3A_796 = arith.constant 0 : i32
      %dma_wait3A_797 = arith.constant 0 : i32
      %dma_wait3A_798 = tpu.memref_slice %arg10[%dma_wait3A_796, %dma_wait3A_797] : memref<10112x16xf32, #tpu.memory_space<vmem_shared>> -> memref<10112x16xf32, #tpu.memory_space<vmem_shared>>
      tpu.wait_indirect_dma semaphore(%arg22 : memref<!tpu.dma_semaphore, #tpu.memory_space<semaphore_mem>>) src(%dma_wait3A_792 : memref<125x16xf32, #tpu.memory_space<vmem>>) dst(%dma_wait3A_798 : memref<10112x16xf32, #tpu.memory_space<vmem_shared>>)
      %add3A_799 = arith.constant 10 : i32
      %add3A_800 = arith.addi %mul3A_497, %add3A_799 : i32
      %add3A_801 = arith.constant 1 : i32
      %add3A_802 = arith.addi %add3A_800, %add3A_801 : i32
      %dma_start3A_803 = arith.constant 1 : i32
      %dma_start3A_804 = arith.constant 0 : i32
      %dma_start3A_805 = arith.constant 0 : i32
      %dma_start3A_806 = tpu.memref_slice %arg8[%dma_start3A_803, %dma_start3A_804, %dma_start3A_805] : memref<10x125x16xf32, #tpu.memory_space<vmem>> -> memref<1x125x16xf32, #tpu.memory_space<vmem>>
      %dma_start3A_807 = tpu.memref_squeeze %dma_start3A_806 : memref<1x125x16xf32, #tpu.memory_space<vmem>> -> memref<125x16xf32, #tpu.memory_space<vmem>>
      %dma_start3A_808 = arith.constant 0 : i32
      %dma_start3A_809 = tpu.memref_slice %arg6[%add3A_802, %dma_start3A_808] : memref<80x125xi32, #tpu.memory_space<vmem>> -> memref<1x125xi32, #tpu.memory_space<vmem>>
      %dma_start3A_810 = tpu.memref_squeeze %dma_start3A_809 : memref<1x125xi32, #tpu.memory_space<vmem>> -> memref<125xi32, #tpu.memory_space<vmem>>
      %dma_start3A_811 = arith.constant 0 : i32
      %dma_start3A_812 = arith.constant 0 : i32
      %dma_start3A_813 = tpu.memref_slice %arg2[%dma_start3A_811, %dma_start3A_812] : memref<320000x16xf32, #tpu.memory_space<hbm>> -> memref<320000x16xf32, #tpu.memory_space<hbm>>
      tpu.enqueue_indirect_dma source(%dma_start3A_813 : memref<320000x16xf32, #tpu.memory_space<hbm>>) target(%dma_start3A_807 : memref<125x16xf32, #tpu.memory_space<vmem>>) offsets(%dma_start3A_810 : memref<125xi32, #tpu.memory_space<vmem>>) semaphore(%arg12 : memref<!tpu.dma_semaphore, #tpu.memory_space<semaphore_mem>>)
      %add3A_814 = arith.constant 2 : i32
      %add3A_815 = arith.addi %mul3A_497, %add3A_814 : i32
      %dma_wait3A_816 = arith.constant 2 : i32
      %dma_wait3A_817 = arith.constant 0 : i32
      %dma_wait3A_818 = arith.constant 0 : i32
      %dma_wait3A_819 = tpu.memref_slice %arg8[%dma_wait3A_816, %dma_wait3A_817, %dma_wait3A_818] : memref<10x125x16xf32, #tpu.memory_space<vmem>> -> memref<1x125x16xf32, #tpu.memory_space<vmem>>
      %dma_wait3A_820 = tpu.memref_squeeze %dma_wait3A_819 : memref<1x125x16xf32, #tpu.memory_space<vmem>> -> memref<125x16xf32, #tpu.memory_space<vmem>>
      %dma_wait3A_821 = arith.constant 0 : i32
      %dma_wait3A_822 = tpu.memref_slice %arg7[%add3A_815, %dma_wait3A_821] : memref<80x125xi32, #tpu.memory_space<vmem>> -> memref<1x125xi32, #tpu.memory_space<vmem>>
      %dma_wait3A_823 = tpu.memref_squeeze %dma_wait3A_822 : memref<1x125xi32, #tpu.memory_space<vmem>> -> memref<125xi32, #tpu.memory_space<vmem>>
      %dma_wait3A_824 = arith.constant 0 : i32
      %dma_wait3A_825 = arith.constant 0 : i32
      %dma_wait3A_826 = tpu.memref_slice %arg10[%dma_wait3A_824, %dma_wait3A_825] : memref<10112x16xf32, #tpu.memory_space<vmem_shared>> -> memref<10112x16xf32, #tpu.memory_space<vmem_shared>>
      tpu.wait_indirect_dma semaphore(%arg23 : memref<!tpu.dma_semaphore, #tpu.memory_space<semaphore_mem>>) src(%dma_wait3A_820 : memref<125x16xf32, #tpu.memory_space<vmem>>) dst(%dma_wait3A_826 : memref<10112x16xf32, #tpu.memory_space<vmem_shared>>)
      %add3A_827 = arith.constant 10 : i32
      %add3A_828 = arith.addi %mul3A_497, %add3A_827 : i32
      %add3A_829 = arith.constant 2 : i32
      %add3A_830 = arith.addi %add3A_828, %add3A_829 : i32
      %dma_start3A_831 = arith.constant 2 : i32
      %dma_start3A_832 = arith.constant 0 : i32
      %dma_start3A_833 = arith.constant 0 : i32
      %dma_start3A_834 = tpu.memref_slice %arg8[%dma_start3A_831, %dma_start3A_832, %dma_start3A_833] : memref<10x125x16xf32, #tpu.memory_space<vmem>> -> memref<1x125x16xf32, #tpu.memory_space<vmem>>
      %dma_start3A_835 = tpu.memref_squeeze %dma_start3A_834 : memref<1x125x16xf32, #tpu.memory_space<vmem>> -> memref<125x16xf32, #tpu.memory_space<vmem>>
      %dma_start3A_836 = arith.constant 0 : i32
      %dma_start3A_837 = tpu.memref_slice %arg6[%add3A_830, %dma_start3A_836] : memref<80x125xi32, #tpu.memory_space<vmem>> -> memref<1x125xi32, #tpu.memory_space<vmem>>
      %dma_start3A_838 = tpu.memref_squeeze %dma_start3A_837 : memref<1x125xi32, #tpu.memory_space<vmem>> -> memref<125xi32, #tpu.memory_space<vmem>>
      %dma_start3A_839 = arith.constant 0 : i32
      %dma_start3A_840 = arith.constant 0 : i32
      %dma_start3A_841 = tpu.memref_slice %arg2[%dma_start3A_839, %dma_start3A_840] : memref<320000x16xf32, #tpu.memory_space<hbm>> -> memref<320000x16xf32, #tpu.memory_space<hbm>>
      tpu.enqueue_indirect_dma source(%dma_start3A_841 : memref<320000x16xf32, #tpu.memory_space<hbm>>) target(%dma_start3A_835 : memref<125x16xf32, #tpu.memory_space<vmem>>) offsets(%dma_start3A_838 : memref<125xi32, #tpu.memory_space<vmem>>) semaphore(%arg13 : memref<!tpu.dma_semaphore, #tpu.memory_space<semaphore_mem>>)
      %add3A_842 = arith.constant 3 : i32
      %add3A_843 = arith.addi %mul3A_497, %add3A_842 : i32
      %dma_wait3A_844 = arith.constant 3 : i32
      %dma_wait3A_845 = arith.constant 0 : i32
      %dma_wait3A_846 = arith.constant 0 : i32
      %dma_wait3A_847 = tpu.memref_slice %arg8[%dma_wait3A_844, %dma_wait3A_845, %dma_wait3A_846] : memref<10x125x16xf32, #tpu.memory_space<vmem>> -> memref<1x125x16xf32, #tpu.memory_space<vmem>>
      %dma_wait3A_848 = tpu.memref_squeeze %dma_wait3A_847 : memref<1x125x16xf32, #tpu.memory_space<vmem>> -> memref<125x16xf32, #tpu.memory_space<vmem>>
      %dma_wait3A_849 = arith.constant 0 : i32
      %dma_wait3A_850 = tpu.memref_slice %arg7[%add3A_843, %dma_wait3A_849] : memref<80x125xi32, #tpu.memory_space<vmem>> -> memref<1x125xi32, #tpu.memory_space<vmem>>
      %dma_wait3A_851 = tpu.memref_squeeze %dma_wait3A_850 : memref<1x125xi32, #tpu.memory_space<vmem>> -> memref<125xi32, #tpu.memory_space<vmem>>
      %dma_wait3A_852 = arith.constant 0 : i32
      %dma_wait3A_853 = arith.constant 0 : i32
      %dma_wait3A_854 = tpu.memref_slice %arg10[%dma_wait3A_852, %dma_wait3A_853] : memref<10112x16xf32, #tpu.memory_space<vmem_shared>> -> memref<10112x16xf32, #tpu.memory_space<vmem_shared>>
      tpu.wait_indirect_dma semaphore(%arg24 : memref<!tpu.dma_semaphore, #tpu.memory_space<semaphore_mem>>) src(%dma_wait3A_848 : memref<125x16xf32, #tpu.memory_space<vmem>>) dst(%dma_wait3A_854 : memref<10112x16xf32, #tpu.memory_space<vmem_shared>>)
      %add3A_855 = arith.constant 10 : i32
      %add3A_856 = arith.addi %mul3A_497, %add3A_855 : i32
      %add3A_857 = arith.constant 3 : i32
      %add3A_858 = arith.addi %add3A_856, %add3A_857 : i32
      %dma_start3A_859 = arith.constant 3 : i32
      %dma_start3A_860 = arith.constant 0 : i32
      %dma_start3A_861 = arith.constant 0 : i32
      %dma_start3A_862 = tpu.memref_slice %arg8[%dma_start3A_859, %dma_start3A_860, %dma_start3A_861] : memref<10x125x16xf32, #tpu.memory_space<vmem>> -> memref<1x125x16xf32, #tpu.memory_space<vmem>>
      %dma_start3A_863 = tpu.memref_squeeze %dma_start3A_862 : memref<1x125x16xf32, #tpu.memory_space<vmem>> -> memref<125x16xf32, #tpu.memory_space<vmem>>
      %dma_start3A_864 = arith.constant 0 : i32
      %dma_start3A_865 = tpu.memref_slice %arg6[%add3A_858, %dma_start3A_864] : memref<80x125xi32, #tpu.memory_space<vmem>> -> memref<1x125xi32, #tpu.memory_space<vmem>>
      %dma_start3A_866 = tpu.memref_squeeze %dma_start3A_865 : memref<1x125xi32, #tpu.memory_space<vmem>> -> memref<125xi32, #tpu.memory_space<vmem>>
      %dma_start3A_867 = arith.constant 0 : i32
      %dma_start3A_868 = arith.constant 0 : i32
      %dma_start3A_869 = tpu.memref_slice %arg2[%dma_start3A_867, %dma_start3A_868] : memref<320000x16xf32, #tpu.memory_space<hbm>> -> memref<320000x16xf32, #tpu.memory_space<hbm>>
      tpu.enqueue_indirect_dma source(%dma_start3A_869 : memref<320000x16xf32, #tpu.memory_space<hbm>>) target(%dma_start3A_863 : memref<125x16xf32, #tpu.memory_space<vmem>>) offsets(%dma_start3A_866 : memref<125xi32, #tpu.memory_space<vmem>>) semaphore(%arg14 : memref<!tpu.dma_semaphore, #tpu.memory_space<semaphore_mem>>)
      %add3A_870 = arith.constant 4 : i32
      %add3A_871 = arith.addi %mul3A_497, %add3A_870 : i32
      %dma_wait3A_872 = arith.constant 4 : i32
      %dma_wait3A_873 = arith.constant 0 : i32
      %dma_wait3A_874 = arith.constant 0 : i32
      %dma_wait3A_875 = tpu.memref_slice %arg8[%dma_wait3A_872, %dma_wait3A_873, %dma_wait3A_874] : memref<10x125x16xf32, #tpu.memory_space<vmem>> -> memref<1x125x16xf32, #tpu.memory_space<vmem>>
      %dma_wait3A_876 = tpu.memref_squeeze %dma_wait3A_875 : memref<1x125x16xf32, #tpu.memory_space<vmem>> -> memref<125x16xf32, #tpu.memory_space<vmem>>
      %dma_wait3A_877 = arith.constant 0 : i32
      %dma_wait3A_878 = tpu.memref_slice %arg7[%add3A_871, %dma_wait3A_877] : memref<80x125xi32, #tpu.memory_space<vmem>> -> memref<1x125xi32, #tpu.memory_space<vmem>>
      %dma_wait3A_879 = tpu.memref_squeeze %dma_wait3A_878 : memref<1x125xi32, #tpu.memory_space<vmem>> -> memref<125xi32, #tpu.memory_space<vmem>>
      %dma_wait3A_880 = arith.constant 0 : i32
      %dma_wait3A_881 = arith.constant 0 : i32
      %dma_wait3A_882 = tpu.memref_slice %arg10[%dma_wait3A_880, %dma_wait3A_881] : memref<10112x16xf32, #tpu.memory_space<vmem_shared>> -> memref<10112x16xf32, #tpu.memory_space<vmem_shared>>
      tpu.wait_indirect_dma semaphore(%arg25 : memref<!tpu.dma_semaphore, #tpu.memory_space<semaphore_mem>>) src(%dma_wait3A_876 : memref<125x16xf32, #tpu.memory_space<vmem>>) dst(%dma_wait3A_882 : memref<10112x16xf32, #tpu.memory_space<vmem_shared>>)
      %add3A_883 = arith.constant 10 : i32
      %add3A_884 = arith.addi %mul3A_497, %add3A_883 : i32
      %add3A_885 = arith.constant 4 : i32
      %add3A_886 = arith.addi %add3A_884, %add3A_885 : i32
      %dma_start3A_887 = arith.constant 4 : i32
      %dma_start3A_888 = arith.constant 0 : i32
      %dma_start3A_889 = arith.constant 0 : i32
      %dma_start3A_890 = tpu.memref_slice %arg8[%dma_start3A_887, %dma_start3A_888, %dma_start3A_889] : memref<10x125x16xf32, #tpu.memory_space<vmem>> -> memref<1x125x16xf32, #tpu.memory_space<vmem>>
      %dma_start3A_891 = tpu.memref_squeeze %dma_start3A_890 : memref<1x125x16xf32, #tpu.memory_space<vmem>> -> memref<125x16xf32, #tpu.memory_space<vmem>>
      %dma_start3A_892 = arith.constant 0 : i32
      %dma_start3A_893 = tpu.memref_slice %arg6[%add3A_886, %dma_start3A_892] : memref<80x125xi32, #tpu.memory_space<vmem>> -> memref<1x125xi32, #tpu.memory_space<vmem>>
      %dma_start3A_894 = tpu.memref_squeeze %dma_start3A_893 : memref<1x125xi32, #tpu.memory_space<vmem>> -> memref<125xi32, #tpu.memory_space<vmem>>
      %dma_start3A_895 = arith.constant 0 : i32
      %dma_start3A_896 = arith.constant 0 : i32
      %dma_start3A_897 = tpu.memref_slice %arg2[%dma_start3A_895, %dma_start3A_896] : memref<320000x16xf32, #tpu.memory_space<hbm>> -> memref<320000x16xf32, #tpu.memory_space<hbm>>
      tpu.enqueue_indirect_dma source(%dma_start3A_897 : memref<320000x16xf32, #tpu.memory_space<hbm>>) target(%dma_start3A_891 : memref<125x16xf32, #tpu.memory_space<vmem>>) offsets(%dma_start3A_894 : memref<125xi32, #tpu.memory_space<vmem>>) semaphore(%arg15 : memref<!tpu.dma_semaphore, #tpu.memory_space<semaphore_mem>>)
      %add3A_898 = arith.constant 5 : i32
      %add3A_899 = arith.addi %mul3A_497, %add3A_898 : i32
      %dma_wait3A_900 = arith.constant 5 : i32
      %dma_wait3A_901 = arith.constant 0 : i32
      %dma_wait3A_902 = arith.constant 0 : i32
      %dma_wait3A_903 = tpu.memref_slice %arg8[%dma_wait3A_900, %dma_wait3A_901, %dma_wait3A_902] : memref<10x125x16xf32, #tpu.memory_space<vmem>> -> memref<1x125x16xf32, #tpu.memory_space<vmem>>
      %dma_wait3A_904 = tpu.memref_squeeze %dma_wait3A_903 : memref<1x125x16xf32, #tpu.memory_space<vmem>> -> memref<125x16xf32, #tpu.memory_space<vmem>>
      %dma_wait3A_905 = arith.constant 0 : i32
      %dma_wait3A_906 = tpu.memref_slice %arg7[%add3A_899, %dma_wait3A_905] : memref<80x125xi32, #tpu.memory_space<vmem>> -> memref<1x125xi32, #tpu.memory_space<vmem>>
      %dma_wait3A_907 = tpu.memref_squeeze %dma_wait3A_906 : memref<1x125xi32, #tpu.memory_space<vmem>> -> memref<125xi32, #tpu.memory_space<vmem>>
      %dma_wait3A_908 = arith.constant 0 : i32
      %dma_wait3A_909 = arith.constant 0 : i32
      %dma_wait3A_910 = tpu.memref_slice %arg10[%dma_wait3A_908, %dma_wait3A_909] : memref<10112x16xf32, #tpu.memory_space<vmem_shared>> -> memref<10112x16xf32, #tpu.memory_space<vmem_shared>>
      tpu.wait_indirect_dma semaphore(%arg26 : memref<!tpu.dma_semaphore, #tpu.memory_space<semaphore_mem>>) src(%dma_wait3A_904 : memref<125x16xf32, #tpu.memory_space<vmem>>) dst(%dma_wait3A_910 : memref<10112x16xf32, #tpu.memory_space<vmem_shared>>)
      %add3A_911 = arith.constant 10 : i32
      %add3A_912 = arith.addi %mul3A_497, %add3A_911 : i32
      %add3A_913 = arith.constant 5 : i32
      %add3A_914 = arith.addi %add3A_912, %add3A_913 : i32
      %dma_start3A_915 = arith.constant 5 : i32
      %dma_start3A_916 = arith.constant 0 : i32
      %dma_start3A_917 = arith.constant 0 : i32
      %dma_start3A_918 = tpu.memref_slice %arg8[%dma_start3A_915, %dma_start3A_916, %dma_start3A_917] : memref<10x125x16xf32, #tpu.memory_space<vmem>> -> memref<1x125x16xf32, #tpu.memory_space<vmem>>
      %dma_start3A_919 = tpu.memref_squeeze %dma_start3A_918 : memref<1x125x16xf32, #tpu.memory_space<vmem>> -> memref<125x16xf32, #tpu.memory_space<vmem>>
      %dma_start3A_920 = arith.constant 0 : i32
      %dma_start3A_921 = tpu.memref_slice %arg6[%add3A_914, %dma_start3A_920] : memref<80x125xi32, #tpu.memory_space<vmem>> -> memref<1x125xi32, #tpu.memory_space<vmem>>
      %dma_start3A_922 = tpu.memref_squeeze %dma_start3A_921 : memref<1x125xi32, #tpu.memory_space<vmem>> -> memref<125xi32, #tpu.memory_space<vmem>>
      %dma_start3A_923 = arith.constant 0 : i32
      %dma_start3A_924 = arith.constant 0 : i32
      %dma_start3A_925 = tpu.memref_slice %arg2[%dma_start3A_923, %dma_start3A_924] : memref<320000x16xf32, #tpu.memory_space<hbm>> -> memref<320000x16xf32, #tpu.memory_space<hbm>>
      tpu.enqueue_indirect_dma source(%dma_start3A_925 : memref<320000x16xf32, #tpu.memory_space<hbm>>) target(%dma_start3A_919 : memref<125x16xf32, #tpu.memory_space<vmem>>) offsets(%dma_start3A_922 : memref<125xi32, #tpu.memory_space<vmem>>) semaphore(%arg16 : memref<!tpu.dma_semaphore, #tpu.memory_space<semaphore_mem>>)
      %add3A_926 = arith.constant 6 : i32
      %add3A_927 = arith.addi %mul3A_497, %add3A_926 : i32
      %dma_wait3A_928 = arith.constant 6 : i32
      %dma_wait3A_929 = arith.constant 0 : i32
      %dma_wait3A_930 = arith.constant 0 : i32
      %dma_wait3A_931 = tpu.memref_slice %arg8[%dma_wait3A_928, %dma_wait3A_929, %dma_wait3A_930] : memref<10x125x16xf32, #tpu.memory_space<vmem>> -> memref<1x125x16xf32, #tpu.memory_space<vmem>>
      %dma_wait3A_932 = tpu.memref_squeeze %dma_wait3A_931 : memref<1x125x16xf32, #tpu.memory_space<vmem>> -> memref<125x16xf32, #tpu.memory_space<vmem>>
      %dma_wait3A_933 = arith.constant 0 : i32
      %dma_wait3A_934 = tpu.memref_slice %arg7[%add3A_927, %dma_wait3A_933] : memref<80x125xi32, #tpu.memory_space<vmem>> -> memref<1x125xi32, #tpu.memory_space<vmem>>
      %dma_wait3A_935 = tpu.memref_squeeze %dma_wait3A_934 : memref<1x125xi32, #tpu.memory_space<vmem>> -> memref<125xi32, #tpu.memory_space<vmem>>
      %dma_wait3A_936 = arith.constant 0 : i32
      %dma_wait3A_937 = arith.constant 0 : i32
      %dma_wait3A_938 = tpu.memref_slice %arg10[%dma_wait3A_936, %dma_wait3A_937] : memref<10112x16xf32, #tpu.memory_space<vmem_shared>> -> memref<10112x16xf32, #tpu.memory_space<vmem_shared>>
      tpu.wait_indirect_dma semaphore(%arg27 : memref<!tpu.dma_semaphore, #tpu.memory_space<semaphore_mem>>) src(%dma_wait3A_932 : memref<125x16xf32, #tpu.memory_space<vmem>>) dst(%dma_wait3A_938 : memref<10112x16xf32, #tpu.memory_space<vmem_shared>>)
      %add3A_939 = arith.constant 10 : i32
      %add3A_940 = arith.addi %mul3A_497, %add3A_939 : i32
      %add3A_941 = arith.constant 6 : i32
      %add3A_942 = arith.addi %add3A_940, %add3A_941 : i32
      %dma_start3A_943 = arith.constant 6 : i32
      %dma_start3A_944 = arith.constant 0 : i32
      %dma_start3A_945 = arith.constant 0 : i32
      %dma_start3A_946 = tpu.memref_slice %arg8[%dma_start3A_943, %dma_start3A_944, %dma_start3A_945] : memref<10x125x16xf32, #tpu.memory_space<vmem>> -> memref<1x125x16xf32, #tpu.memory_space<vmem>>
      %dma_start3A_947 = tpu.memref_squeeze %dma_start3A_946 : memref<1x125x16xf32, #tpu.memory_space<vmem>> -> memref<125x16xf32, #tpu.memory_space<vmem>>
      %dma_start3A_948 = arith.constant 0 : i32
      %dma_start3A_949 = tpu.memref_slice %arg6[%add3A_942, %dma_start3A_948] : memref<80x125xi32, #tpu.memory_space<vmem>> -> memref<1x125xi32, #tpu.memory_space<vmem>>
      %dma_start3A_950 = tpu.memref_squeeze %dma_start3A_949 : memref<1x125xi32, #tpu.memory_space<vmem>> -> memref<125xi32, #tpu.memory_space<vmem>>
      %dma_start3A_951 = arith.constant 0 : i32
      %dma_start3A_952 = arith.constant 0 : i32
      %dma_start3A_953 = tpu.memref_slice %arg2[%dma_start3A_951, %dma_start3A_952] : memref<320000x16xf32, #tpu.memory_space<hbm>> -> memref<320000x16xf32, #tpu.memory_space<hbm>>
      tpu.enqueue_indirect_dma source(%dma_start3A_953 : memref<320000x16xf32, #tpu.memory_space<hbm>>) target(%dma_start3A_947 : memref<125x16xf32, #tpu.memory_space<vmem>>) offsets(%dma_start3A_950 : memref<125xi32, #tpu.memory_space<vmem>>) semaphore(%arg17 : memref<!tpu.dma_semaphore, #tpu.memory_space<semaphore_mem>>)
      %add3A_954 = arith.constant 7 : i32
      %add3A_955 = arith.addi %mul3A_497, %add3A_954 : i32
      %dma_wait3A_956 = arith.constant 7 : i32
      %dma_wait3A_957 = arith.constant 0 : i32
      %dma_wait3A_958 = arith.constant 0 : i32
      %dma_wait3A_959 = tpu.memref_slice %arg8[%dma_wait3A_956, %dma_wait3A_957, %dma_wait3A_958] : memref<10x125x16xf32, #tpu.memory_space<vmem>> -> memref<1x125x16xf32, #tpu.memory_space<vmem>>
      %dma_wait3A_960 = tpu.memref_squeeze %dma_wait3A_959 : memref<1x125x16xf32, #tpu.memory_space<vmem>> -> memref<125x16xf32, #tpu.memory_space<vmem>>
      %dma_wait3A_961 = arith.constant 0 : i32
      %dma_wait3A_962 = tpu.memref_slice %arg7[%add3A_955, %dma_wait3A_961] : memref<80x125xi32, #tpu.memory_space<vmem>> -> memref<1x125xi32, #tpu.memory_space<vmem>>
      %dma_wait3A_963 = tpu.memref_squeeze %dma_wait3A_962 : memref<1x125xi32, #tpu.memory_space<vmem>> -> memref<125xi32, #tpu.memory_space<vmem>>
      %dma_wait3A_964 = arith.constant 0 : i32
      %dma_wait3A_965 = arith.constant 0 : i32
      %dma_wait3A_966 = tpu.memref_slice %arg10[%dma_wait3A_964, %dma_wait3A_965] : memref<10112x16xf32, #tpu.memory_space<vmem_shared>> -> memref<10112x16xf32, #tpu.memory_space<vmem_shared>>
      tpu.wait_indirect_dma semaphore(%arg28 : memref<!tpu.dma_semaphore, #tpu.memory_space<semaphore_mem>>) src(%dma_wait3A_960 : memref<125x16xf32, #tpu.memory_space<vmem>>) dst(%dma_wait3A_966 : memref<10112x16xf32, #tpu.memory_space<vmem_shared>>)
      %add3A_967 = arith.constant 10 : i32
      %add3A_968 = arith.addi %mul3A_497, %add3A_967 : i32
      %add3A_969 = arith.constant 7 : i32
      %add3A_970 = arith.addi %add3A_968, %add3A_969 : i32
      %dma_start3A_971 = arith.constant 7 : i32
      %dma_start3A_972 = arith.constant 0 : i32
      %dma_start3A_973 = arith.constant 0 : i32
      %dma_start3A_974 = tpu.memref_slice %arg8[%dma_start3A_971, %dma_start3A_972, %dma_start3A_973] : memref<10x125x16xf32, #tpu.memory_space<vmem>> -> memref<1x125x16xf32, #tpu.memory_space<vmem>>
      %dma_start3A_975 = tpu.memref_squeeze %dma_start3A_974 : memref<1x125x16xf32, #tpu.memory_space<vmem>> -> memref<125x16xf32, #tpu.memory_space<vmem>>
      %dma_start3A_976 = arith.constant 0 : i32
      %dma_start3A_977 = tpu.memref_slice %arg6[%add3A_970, %dma_start3A_976] : memref<80x125xi32, #tpu.memory_space<vmem>> -> memref<1x125xi32, #tpu.memory_space<vmem>>
      %dma_start3A_978 = tpu.memref_squeeze %dma_start3A_977 : memref<1x125xi32, #tpu.memory_space<vmem>> -> memref<125xi32, #tpu.memory_space<vmem>>
      %dma_start3A_979 = arith.constant 0 : i32
      %dma_start3A_980 = arith.constant 0 : i32
      %dma_start3A_981 = tpu.memref_slice %arg2[%dma_start3A_979, %dma_start3A_980] : memref<320000x16xf32, #tpu.memory_space<hbm>> -> memref<320000x16xf32, #tpu.memory_space<hbm>>
      tpu.enqueue_indirect_dma source(%dma_start3A_981 : memref<320000x16xf32, #tpu.memory_space<hbm>>) target(%dma_start3A_975 : memref<125x16xf32, #tpu.memory_space<vmem>>) offsets(%dma_start3A_978 : memref<125xi32, #tpu.memory_space<vmem>>) semaphore(%arg18 : memref<!tpu.dma_semaphore, #tpu.memory_space<semaphore_mem>>)
      %add3A_982 = arith.constant 8 : i32
      %add3A_983 = arith.addi %mul3A_497, %add3A_982 : i32
      %dma_wait3A_984 = arith.constant 8 : i32
      %dma_wait3A_985 = arith.constant 0 : i32
      %dma_wait3A_986 = arith.constant 0 : i32
      %dma_wait3A_987 = tpu.memref_slice %arg8[%dma_wait3A_984, %dma_wait3A_985, %dma_wait3A_986] : memref<10x125x16xf32, #tpu.memory_space<vmem>> -> memref<1x125x16xf32, #tpu.memory_space<vmem>>
      %dma_wait3A_988 = tpu.memref_squeeze %dma_wait3A_987 : memref<1x125x16xf32, #tpu.memory_space<vmem>> -> memref<125x16xf32, #tpu.memory_space<vmem>>
      %dma_wait3A_989 = arith.constant 0 : i32
      %dma_wait3A_990 = tpu.memref_slice %arg7[%add3A_983, %dma_wait3A_989] : memref<80x125xi32, #tpu.memory_space<vmem>> -> memref<1x125xi32, #tpu.memory_space<vmem>>
      %dma_wait3A_991 = tpu.memref_squeeze %dma_wait3A_990 : memref<1x125xi32, #tpu.memory_space<vmem>> -> memref<125xi32, #tpu.memory_space<vmem>>
      %dma_wait3A_992 = arith.constant 0 : i32
      %dma_wait3A_993 = arith.constant 0 : i32
      %dma_wait3A_994 = tpu.memref_slice %arg10[%dma_wait3A_992, %dma_wait3A_993] : memref<10112x16xf32, #tpu.memory_space<vmem_shared>> -> memref<10112x16xf32, #tpu.memory_space<vmem_shared>>
      tpu.wait_indirect_dma semaphore(%arg29 : memref<!tpu.dma_semaphore, #tpu.memory_space<semaphore_mem>>) src(%dma_wait3A_988 : memref<125x16xf32, #tpu.memory_space<vmem>>) dst(%dma_wait3A_994 : memref<10112x16xf32, #tpu.memory_space<vmem_shared>>)
      %add3A_995 = arith.constant 10 : i32
      %add3A_996 = arith.addi %mul3A_497, %add3A_995 : i32
      %add3A_997 = arith.constant 8 : i32
      %add3A_998 = arith.addi %add3A_996, %add3A_997 : i32
      %dma_start3A_999 = arith.constant 8 : i32
      %dma_start3A_1000 = arith.constant 0 : i32
      %dma_start3A_1001 = arith.constant 0 : i32
      %dma_start3A_1002 = tpu.memref_slice %arg8[%dma_start3A_999, %dma_start3A_1000, %dma_start3A_1001] : memref<10x125x16xf32, #tpu.memory_space<vmem>> -> memref<1x125x16xf32, #tpu.memory_space<vmem>>
      %dma_start3A_1003 = tpu.memref_squeeze %dma_start3A_1002 : memref<1x125x16xf32, #tpu.memory_space<vmem>> -> memref<125x16xf32, #tpu.memory_space<vmem>>
      %dma_start3A_1004 = arith.constant 0 : i32
      %dma_start3A_1005 = tpu.memref_slice %arg6[%add3A_998, %dma_start3A_1004] : memref<80x125xi32, #tpu.memory_space<vmem>> -> memref<1x125xi32, #tpu.memory_space<vmem>>
      %dma_start3A_1006 = tpu.memref_squeeze %dma_start3A_1005 : memref<1x125xi32, #tpu.memory_space<vmem>> -> memref<125xi32, #tpu.memory_space<vmem>>
      %dma_start3A_1007 = arith.constant 0 : i32
      %dma_start3A_1008 = arith.constant 0 : i32
      %dma_start3A_1009 = tpu.memref_slice %arg2[%dma_start3A_1007, %dma_start3A_1008] : memref<320000x16xf32, #tpu.memory_space<hbm>> -> memref<320000x16xf32, #tpu.memory_space<hbm>>
      tpu.enqueue_indirect_dma source(%dma_start3A_1009 : memref<320000x16xf32, #tpu.memory_space<hbm>>) target(%dma_start3A_1003 : memref<125x16xf32, #tpu.memory_space<vmem>>) offsets(%dma_start3A_1006 : memref<125xi32, #tpu.memory_space<vmem>>) semaphore(%arg19 : memref<!tpu.dma_semaphore, #tpu.memory_space<semaphore_mem>>)
      %add3A_1010 = arith.constant 9 : i32
      %add3A_1011 = arith.addi %mul3A_497, %add3A_1010 : i32
      %dma_wait3A_1012 = arith.constant 9 : i32
      %dma_wait3A_1013 = arith.constant 0 : i32
      %dma_wait3A_1014 = arith.constant 0 : i32
      %dma_wait3A_1015 = tpu.memref_slice %arg8[%dma_wait3A_1012, %dma_wait3A_1013, %dma_wait3A_1014] : memref<10x125x16xf32, #tpu.memory_space<vmem>> -> memref<1x125x16xf32, #tpu.memory_space<vmem>>
      %dma_wait3A_1016 = tpu.memref_squeeze %dma_wait3A_1015 : memref<1x125x16xf32, #tpu.memory_space<vmem>> -> memref<125x16xf32, #tpu.memory_space<vmem>>
      %dma_wait3A_1017 = arith.constant 0 : i32
      %dma_wait3A_1018 = tpu.memref_slice %arg7[%add3A_1011, %dma_wait3A_1017] : memref<80x125xi32, #tpu.memory_space<vmem>> -> memref<1x125xi32, #tpu.memory_space<vmem>>
      %dma_wait3A_1019 = tpu.memref_squeeze %dma_wait3A_1018 : memref<1x125xi32, #tpu.memory_space<vmem>> -> memref<125xi32, #tpu.memory_space<vmem>>
      %dma_wait3A_1020 = arith.constant 0 : i32
      %dma_wait3A_1021 = arith.constant 0 : i32
      %dma_wait3A_1022 = tpu.memref_slice %arg10[%dma_wait3A_1020, %dma_wait3A_1021] : memref<10112x16xf32, #tpu.memory_space<vmem_shared>> -> memref<10112x16xf32, #tpu.memory_space<vmem_shared>>
      tpu.wait_indirect_dma semaphore(%arg30 : memref<!tpu.dma_semaphore, #tpu.memory_space<semaphore_mem>>) src(%dma_wait3A_1016 : memref<125x16xf32, #tpu.memory_space<vmem>>) dst(%dma_wait3A_1022 : memref<10112x16xf32, #tpu.memory_space<vmem_shared>>)
      %add3A_1023 = arith.constant 10 : i32
      %add3A_1024 = arith.addi %mul3A_497, %add3A_1023 : i32
      %add3A_1025 = arith.constant 9 : i32
      %add3A_1026 = arith.addi %add3A_1024, %add3A_1025 : i32
      %dma_start3A_1027 = arith.constant 9 : i32
      %dma_start3A_1028 = arith.constant 0 : i32
      %dma_start3A_1029 = arith.constant 0 : i32
      %dma_start3A_1030 = tpu.memref_slice %arg8[%dma_start3A_1027, %dma_start3A_1028, %dma_start3A_1029] : memref<10x125x16xf32, #tpu.memory_space<vmem>> -> memref<1x125x16xf32, #tpu.memory_space<vmem>>
      %dma_start3A_1031 = tpu.memref_squeeze %dma_start3A_1030 : memref<1x125x16xf32, #tpu.memory_space<vmem>> -> memref<125x16xf32, #tpu.memory_space<vmem>>
      %dma_start3A_1032 = arith.constant 0 : i32
      %dma_start3A_1033 = tpu.memref_slice %arg6[%add3A_1026, %dma_start3A_1032] : memref<80x125xi32, #tpu.memory_space<vmem>> -> memref<1x125xi32, #tpu.memory_space<vmem>>
      %dma_start3A_1034 = tpu.memref_squeeze %dma_start3A_1033 : memref<1x125xi32, #tpu.memory_space<vmem>> -> memref<125xi32, #tpu.memory_space<vmem>>
      %dma_start3A_1035 = arith.constant 0 : i32
      %dma_start3A_1036 = arith.constant 0 : i32
      %dma_start3A_1037 = tpu.memref_slice %arg2[%dma_start3A_1035, %dma_start3A_1036] : memref<320000x16xf32, #tpu.memory_space<hbm>> -> memref<320000x16xf32, #tpu.memory_space<hbm>>
      tpu.enqueue_indirect_dma source(%dma_start3A_1037 : memref<320000x16xf32, #tpu.memory_space<hbm>>) target(%dma_start3A_1031 : memref<125x16xf32, #tpu.memory_space<vmem>>) offsets(%dma_start3A_1034 : memref<125xi32, #tpu.memory_space<vmem>>) semaphore(%arg20 : memref<!tpu.dma_semaphore, #tpu.memory_space<semaphore_mem>>)
    }
    %scan3A_132 = arith.constant 7 : i32
    %dma_wait3A = arith.constant 70 : i32
    %dma_wait3A_133 = arith.constant 0 : i32
    %dma_wait3A_134 = arith.constant 0 : i32
    %dma_wait3A_135 = arith.constant 0 : i32
    %dma_wait3A_136 = tpu.memref_slice %arg8[%dma_wait3A_133, %dma_wait3A_134, %dma_wait3A_135] : memref<10x125x16xf32, #tpu.memory_space<vmem>> -> memref<1x125x16xf32, #tpu.memory_space<vmem>>
    %dma_wait3A_137 = tpu.memref_squeeze %dma_wait3A_136 : memref<1x125x16xf32, #tpu.memory_space<vmem>> -> memref<125x16xf32, #tpu.memory_space<vmem>>
    %dma_wait3A_138 = arith.constant 0 : i32
    %dma_wait3A_139 = tpu.memref_slice %arg6[%dma_wait3A, %dma_wait3A_138] : memref<80x125xi32, #tpu.memory_space<vmem>> -> memref<1x125xi32, #tpu.memory_space<vmem>>
    %dma_wait3A_140 = tpu.memref_squeeze %dma_wait3A_139 : memref<1x125xi32, #tpu.memory_space<vmem>> -> memref<125xi32, #tpu.memory_space<vmem>>
    %dma_wait3A_141 = arith.constant 0 : i32
    %dma_wait3A_142 = arith.constant 0 : i32
    %dma_wait3A_143 = tpu.memref_slice %arg2[%dma_wait3A_141, %dma_wait3A_142] : memref<320000x16xf32, #tpu.memory_space<hbm>> -> memref<320000x16xf32, #tpu.memory_space<hbm>>
    tpu.wait_indirect_dma semaphore(%arg11 : memref<!tpu.dma_semaphore, #tpu.memory_space<semaphore_mem>>) src(%dma_wait3A_143 : memref<320000x16xf32, #tpu.memory_space<hbm>>) dst(%dma_wait3A_137 : memref<125x16xf32, #tpu.memory_space<vmem>>)
    %dma_start3A_144 = arith.constant 0 : i32
    %dma_start3A_145 = arith.constant 70 : i32
    %dma_start3A_146 = arith.constant 0 : i32
    %dma_start3A_147 = arith.constant 0 : i32
    %dma_start3A_148 = tpu.memref_slice %arg8[%dma_start3A_144, %dma_start3A_146, %dma_start3A_147] : memref<10x125x16xf32, #tpu.memory_space<vmem>> -> memref<1x125x16xf32, #tpu.memory_space<vmem>>
    %dma_start3A_149 = tpu.memref_squeeze %dma_start3A_148 : memref<1x125x16xf32, #tpu.memory_space<vmem>> -> memref<125x16xf32, #tpu.memory_space<vmem>>
    %dma_start3A_150 = arith.constant 0 : i32
    %dma_start3A_151 = tpu.memref_slice %arg7[%dma_start3A_145, %dma_start3A_150] : memref<80x125xi32, #tpu.memory_space<vmem>> -> memref<1x125xi32, #tpu.memory_space<vmem>>
    %dma_start3A_152 = tpu.memref_squeeze %dma_start3A_151 : memref<1x125xi32, #tpu.memory_space<vmem>> -> memref<125xi32, #tpu.memory_space<vmem>>
    %dma_start3A_153 = arith.constant 0 : i32
    %dma_start3A_154 = arith.constant 0 : i32
    %dma_start3A_155 = tpu.memref_slice %arg10[%dma_start3A_153, %dma_start3A_154] : memref<10112x16xf32, #tpu.memory_space<vmem_shared>> -> memref<10112x16xf32, #tpu.memory_space<vmem_shared>>
    tpu.enqueue_indirect_dma source(%dma_start3A_149 : memref<125x16xf32, #tpu.memory_space<vmem>>) target(%dma_start3A_155 : memref<10112x16xf32, #tpu.memory_space<vmem_shared>>) offsets(%dma_start3A_152 : memref<125xi32, #tpu.memory_space<vmem>>) semaphore(%arg21 : memref<!tpu.dma_semaphore, #tpu.memory_space<semaphore_mem>>) {add = true}
    %dma_wait3A_156 = arith.constant 71 : i32
    %dma_wait3A_157 = arith.constant 1 : i32
    %dma_wait3A_158 = arith.constant 0 : i32
    %dma_wait3A_159 = arith.constant 0 : i32
    %dma_wait3A_160 = tpu.memref_slice %arg8[%dma_wait3A_157, %dma_wait3A_158, %dma_wait3A_159] : memref<10x125x16xf32, #tpu.memory_space<vmem>> -> memref<1x125x16xf32, #tpu.memory_space<vmem>>
    %dma_wait3A_161 = tpu.memref_squeeze %dma_wait3A_160 : memref<1x125x16xf32, #tpu.memory_space<vmem>> -> memref<125x16xf32, #tpu.memory_space<vmem>>
    %dma_wait3A_162 = arith.constant 0 : i32
    %dma_wait3A_163 = tpu.memref_slice %arg6[%dma_wait3A_156, %dma_wait3A_162] : memref<80x125xi32, #tpu.memory_space<vmem>> -> memref<1x125xi32, #tpu.memory_space<vmem>>
    %dma_wait3A_164 = tpu.memref_squeeze %dma_wait3A_163 : memref<1x125xi32, #tpu.memory_space<vmem>> -> memref<125xi32, #tpu.memory_space<vmem>>
    %dma_wait3A_165 = arith.constant 0 : i32
    %dma_wait3A_166 = arith.constant 0 : i32
    %dma_wait3A_167 = tpu.memref_slice %arg2[%dma_wait3A_165, %dma_wait3A_166] : memref<320000x16xf32, #tpu.memory_space<hbm>> -> memref<320000x16xf32, #tpu.memory_space<hbm>>
    tpu.wait_indirect_dma semaphore(%arg12 : memref<!tpu.dma_semaphore, #tpu.memory_space<semaphore_mem>>) src(%dma_wait3A_167 : memref<320000x16xf32, #tpu.memory_space<hbm>>) dst(%dma_wait3A_161 : memref<125x16xf32, #tpu.memory_space<vmem>>)
    %dma_start3A_168 = arith.constant 1 : i32
    %dma_start3A_169 = arith.constant 71 : i32
    %dma_start3A_170 = arith.constant 0 : i32
    %dma_start3A_171 = arith.constant 0 : i32
    %dma_start3A_172 = tpu.memref_slice %arg8[%dma_start3A_168, %dma_start3A_170, %dma_start3A_171] : memref<10x125x16xf32, #tpu.memory_space<vmem>> -> memref<1x125x16xf32, #tpu.memory_space<vmem>>
    %dma_start3A_173 = tpu.memref_squeeze %dma_start3A_172 : memref<1x125x16xf32, #tpu.memory_space<vmem>> -> memref<125x16xf32, #tpu.memory_space<vmem>>
    %dma_start3A_174 = arith.constant 0 : i32
    %dma_start3A_175 = tpu.memref_slice %arg7[%dma_start3A_169, %dma_start3A_174] : memref<80x125xi32, #tpu.memory_space<vmem>> -> memref<1x125xi32, #tpu.memory_space<vmem>>
    %dma_start3A_176 = tpu.memref_squeeze %dma_start3A_175 : memref<1x125xi32, #tpu.memory_space<vmem>> -> memref<125xi32, #tpu.memory_space<vmem>>
    %dma_start3A_177 = arith.constant 0 : i32
    %dma_start3A_178 = arith.constant 0 : i32
    %dma_start3A_179 = tpu.memref_slice %arg10[%dma_start3A_177, %dma_start3A_178] : memref<10112x16xf32, #tpu.memory_space<vmem_shared>> -> memref<10112x16xf32, #tpu.memory_space<vmem_shared>>
    tpu.enqueue_indirect_dma source(%dma_start3A_173 : memref<125x16xf32, #tpu.memory_space<vmem>>) target(%dma_start3A_179 : memref<10112x16xf32, #tpu.memory_space<vmem_shared>>) offsets(%dma_start3A_176 : memref<125xi32, #tpu.memory_space<vmem>>) semaphore(%arg22 : memref<!tpu.dma_semaphore, #tpu.memory_space<semaphore_mem>>) {add = true}
    %dma_wait3A_180 = arith.constant 72 : i32
    %dma_wait3A_181 = arith.constant 2 : i32
    %dma_wait3A_182 = arith.constant 0 : i32
    %dma_wait3A_183 = arith.constant 0 : i32
    %dma_wait3A_184 = tpu.memref_slice %arg8[%dma_wait3A_181, %dma_wait3A_182, %dma_wait3A_183] : memref<10x125x16xf32, #tpu.memory_space<vmem>> -> memref<1x125x16xf32, #tpu.memory_space<vmem>>
    %dma_wait3A_185 = tpu.memref_squeeze %dma_wait3A_184 : memref<1x125x16xf32, #tpu.memory_space<vmem>> -> memref<125x16xf32, #tpu.memory_space<vmem>>
    %dma_wait3A_186 = arith.constant 0 : i32
    %dma_wait3A_187 = tpu.memref_slice %arg6[%dma_wait3A_180, %dma_wait3A_186] : memref<80x125xi32, #tpu.memory_space<vmem>> -> memref<1x125xi32, #tpu.memory_space<vmem>>
    %dma_wait3A_188 = tpu.memref_squeeze %dma_wait3A_187 : memref<1x125xi32, #tpu.memory_space<vmem>> -> memref<125xi32, #tpu.memory_space<vmem>>
    %dma_wait3A_189 = arith.constant 0 : i32
    %dma_wait3A_190 = arith.constant 0 : i32
    %dma_wait3A_191 = tpu.memref_slice %arg2[%dma_wait3A_189, %dma_wait3A_190] : memref<320000x16xf32, #tpu.memory_space<hbm>> -> memref<320000x16xf32, #tpu.memory_space<hbm>>
    tpu.wait_indirect_dma semaphore(%arg13 : memref<!tpu.dma_semaphore, #tpu.memory_space<semaphore_mem>>) src(%dma_wait3A_191 : memref<320000x16xf32, #tpu.memory_space<hbm>>) dst(%dma_wait3A_185 : memref<125x16xf32, #tpu.memory_space<vmem>>)
    %dma_start3A_192 = arith.constant 2 : i32
    %dma_start3A_193 = arith.constant 72 : i32
    %dma_start3A_194 = arith.constant 0 : i32
    %dma_start3A_195 = arith.constant 0 : i32
    %dma_start3A_196 = tpu.memref_slice %arg8[%dma_start3A_192, %dma_start3A_194, %dma_start3A_195] : memref<10x125x16xf32, #tpu.memory_space<vmem>> -> memref<1x125x16xf32, #tpu.memory_space<vmem>>
    %dma_start3A_197 = tpu.memref_squeeze %dma_start3A_196 : memref<1x125x16xf32, #tpu.memory_space<vmem>> -> memref<125x16xf32, #tpu.memory_space<vmem>>
    %dma_start3A_198 = arith.constant 0 : i32
    %dma_start3A_199 = tpu.memref_slice %arg7[%dma_start3A_193, %dma_start3A_198] : memref<80x125xi32, #tpu.memory_space<vmem>> -> memref<1x125xi32, #tpu.memory_space<vmem>>
    %dma_start3A_200 = tpu.memref_squeeze %dma_start3A_199 : memref<1x125xi32, #tpu.memory_space<vmem>> -> memref<125xi32, #tpu.memory_space<vmem>>
    %dma_start3A_201 = arith.constant 0 : i32
    %dma_start3A_202 = arith.constant 0 : i32
    %dma_start3A_203 = tpu.memref_slice %arg10[%dma_start3A_201, %dma_start3A_202] : memref<10112x16xf32, #tpu.memory_space<vmem_shared>> -> memref<10112x16xf32, #tpu.memory_space<vmem_shared>>
    tpu.enqueue_indirect_dma source(%dma_start3A_197 : memref<125x16xf32, #tpu.memory_space<vmem>>) target(%dma_start3A_203 : memref<10112x16xf32, #tpu.memory_space<vmem_shared>>) offsets(%dma_start3A_200 : memref<125xi32, #tpu.memory_space<vmem>>) semaphore(%arg23 : memref<!tpu.dma_semaphore, #tpu.memory_space<semaphore_mem>>) {add = true}
    %dma_wait3A_204 = arith.constant 73 : i32
    %dma_wait3A_205 = arith.constant 3 : i32
    %dma_wait3A_206 = arith.constant 0 : i32
    %dma_wait3A_207 = arith.constant 0 : i32
    %dma_wait3A_208 = tpu.memref_slice %arg8[%dma_wait3A_205, %dma_wait3A_206, %dma_wait3A_207] : memref<10x125x16xf32, #tpu.memory_space<vmem>> -> memref<1x125x16xf32, #tpu.memory_space<vmem>>
    %dma_wait3A_209 = tpu.memref_squeeze %dma_wait3A_208 : memref<1x125x16xf32, #tpu.memory_space<vmem>> -> memref<125x16xf32, #tpu.memory_space<vmem>>
    %dma_wait3A_210 = arith.constant 0 : i32
    %dma_wait3A_211 = tpu.memref_slice %arg6[%dma_wait3A_204, %dma_wait3A_210] : memref<80x125xi32, #tpu.memory_space<vmem>> -> memref<1x125xi32, #tpu.memory_space<vmem>>
    %dma_wait3A_212 = tpu.memref_squeeze %dma_wait3A_211 : memref<1x125xi32, #tpu.memory_space<vmem>> -> memref<125xi32, #tpu.memory_space<vmem>>
    %dma_wait3A_213 = arith.constant 0 : i32
    %dma_wait3A_214 = arith.constant 0 : i32
    %dma_wait3A_215 = tpu.memref_slice %arg2[%dma_wait3A_213, %dma_wait3A_214] : memref<320000x16xf32, #tpu.memory_space<hbm>> -> memref<320000x16xf32, #tpu.memory_space<hbm>>
    tpu.wait_indirect_dma semaphore(%arg14 : memref<!tpu.dma_semaphore, #tpu.memory_space<semaphore_mem>>) src(%dma_wait3A_215 : memref<320000x16xf32, #tpu.memory_space<hbm>>) dst(%dma_wait3A_209 : memref<125x16xf32, #tpu.memory_space<vmem>>)
    %dma_start3A_216 = arith.constant 3 : i32
    %dma_start3A_217 = arith.constant 73 : i32
    %dma_start3A_218 = arith.constant 0 : i32
    %dma_start3A_219 = arith.constant 0 : i32
    %dma_start3A_220 = tpu.memref_slice %arg8[%dma_start3A_216, %dma_start3A_218, %dma_start3A_219] : memref<10x125x16xf32, #tpu.memory_space<vmem>> -> memref<1x125x16xf32, #tpu.memory_space<vmem>>
    %dma_start3A_221 = tpu.memref_squeeze %dma_start3A_220 : memref<1x125x16xf32, #tpu.memory_space<vmem>> -> memref<125x16xf32, #tpu.memory_space<vmem>>
    %dma_start3A_222 = arith.constant 0 : i32
    %dma_start3A_223 = tpu.memref_slice %arg7[%dma_start3A_217, %dma_start3A_222] : memref<80x125xi32, #tpu.memory_space<vmem>> -> memref<1x125xi32, #tpu.memory_space<vmem>>
    %dma_start3A_224 = tpu.memref_squeeze %dma_start3A_223 : memref<1x125xi32, #tpu.memory_space<vmem>> -> memref<125xi32, #tpu.memory_space<vmem>>
    %dma_start3A_225 = arith.constant 0 : i32
    %dma_start3A_226 = arith.constant 0 : i32
    %dma_start3A_227 = tpu.memref_slice %arg10[%dma_start3A_225, %dma_start3A_226] : memref<10112x16xf32, #tpu.memory_space<vmem_shared>> -> memref<10112x16xf32, #tpu.memory_space<vmem_shared>>
    tpu.enqueue_indirect_dma source(%dma_start3A_221 : memref<125x16xf32, #tpu.memory_space<vmem>>) target(%dma_start3A_227 : memref<10112x16xf32, #tpu.memory_space<vmem_shared>>) offsets(%dma_start3A_224 : memref<125xi32, #tpu.memory_space<vmem>>) semaphore(%arg24 : memref<!tpu.dma_semaphore, #tpu.memory_space<semaphore_mem>>) {add = true}
    %dma_wait3A_228 = arith.constant 74 : i32
    %dma_wait3A_229 = arith.constant 4 : i32
    %dma_wait3A_230 = arith.constant 0 : i32
    %dma_wait3A_231 = arith.constant 0 : i32
    %dma_wait3A_232 = tpu.memref_slice %arg8[%dma_wait3A_229, %dma_wait3A_230, %dma_wait3A_231] : memref<10x125x16xf32, #tpu.memory_space<vmem>> -> memref<1x125x16xf32, #tpu.memory_space<vmem>>
    %dma_wait3A_233 = tpu.memref_squeeze %dma_wait3A_232 : memref<1x125x16xf32, #tpu.memory_space<vmem>> -> memref<125x16xf32, #tpu.memory_space<vmem>>
    %dma_wait3A_234 = arith.constant 0 : i32
    %dma_wait3A_235 = tpu.memref_slice %arg6[%dma_wait3A_228, %dma_wait3A_234] : memref<80x125xi32, #tpu.memory_space<vmem>> -> memref<1x125xi32, #tpu.memory_space<vmem>>
    %dma_wait3A_236 = tpu.memref_squeeze %dma_wait3A_235 : memref<1x125xi32, #tpu.memory_space<vmem>> -> memref<125xi32, #tpu.memory_space<vmem>>
    %dma_wait3A_237 = arith.constant 0 : i32
    %dma_wait3A_238 = arith.constant 0 : i32
    %dma_wait3A_239 = tpu.memref_slice %arg2[%dma_wait3A_237, %dma_wait3A_238] : memref<320000x16xf32, #tpu.memory_space<hbm>> -> memref<320000x16xf32, #tpu.memory_space<hbm>>
    tpu.wait_indirect_dma semaphore(%arg15 : memref<!tpu.dma_semaphore, #tpu.memory_space<semaphore_mem>>) src(%dma_wait3A_239 : memref<320000x16xf32, #tpu.memory_space<hbm>>) dst(%dma_wait3A_233 : memref<125x16xf32, #tpu.memory_space<vmem>>)
    %dma_start3A_240 = arith.constant 4 : i32
    %dma_start3A_241 = arith.constant 74 : i32
    %dma_start3A_242 = arith.constant 0 : i32
    %dma_start3A_243 = arith.constant 0 : i32
    %dma_start3A_244 = tpu.memref_slice %arg8[%dma_start3A_240, %dma_start3A_242, %dma_start3A_243] : memref<10x125x16xf32, #tpu.memory_space<vmem>> -> memref<1x125x16xf32, #tpu.memory_space<vmem>>
    %dma_start3A_245 = tpu.memref_squeeze %dma_start3A_244 : memref<1x125x16xf32, #tpu.memory_space<vmem>> -> memref<125x16xf32, #tpu.memory_space<vmem>>
    %dma_start3A_246 = arith.constant 0 : i32
    %dma_start3A_247 = tpu.memref_slice %arg7[%dma_start3A_241, %dma_start3A_246] : memref<80x125xi32, #tpu.memory_space<vmem>> -> memref<1x125xi32, #tpu.memory_space<vmem>>
    %dma_start3A_248 = tpu.memref_squeeze %dma_start3A_247 : memref<1x125xi32, #tpu.memory_space<vmem>> -> memref<125xi32, #tpu.memory_space<vmem>>
    %dma_start3A_249 = arith.constant 0 : i32
    %dma_start3A_250 = arith.constant 0 : i32
    %dma_start3A_251 = tpu.memref_slice %arg10[%dma_start3A_249, %dma_start3A_250] : memref<10112x16xf32, #tpu.memory_space<vmem_shared>> -> memref<10112x16xf32, #tpu.memory_space<vmem_shared>>
    tpu.enqueue_indirect_dma source(%dma_start3A_245 : memref<125x16xf32, #tpu.memory_space<vmem>>) target(%dma_start3A_251 : memref<10112x16xf32, #tpu.memory_space<vmem_shared>>) offsets(%dma_start3A_248 : memref<125xi32, #tpu.memory_space<vmem>>) semaphore(%arg25 : memref<!tpu.dma_semaphore, #tpu.memory_space<semaphore_mem>>) {add = true}
    %dma_wait3A_252 = arith.constant 75 : i32
    %dma_wait3A_253 = arith.constant 5 : i32
    %dma_wait3A_254 = arith.constant 0 : i32
    %dma_wait3A_255 = arith.constant 0 : i32
    %dma_wait3A_256 = tpu.memref_slice %arg8[%dma_wait3A_253, %dma_wait3A_254, %dma_wait3A_255] : memref<10x125x16xf32, #tpu.memory_space<vmem>> -> memref<1x125x16xf32, #tpu.memory_space<vmem>>
    %dma_wait3A_257 = tpu.memref_squeeze %dma_wait3A_256 : memref<1x125x16xf32, #tpu.memory_space<vmem>> -> memref<125x16xf32, #tpu.memory_space<vmem>>
    %dma_wait3A_258 = arith.constant 0 : i32
    %dma_wait3A_259 = tpu.memref_slice %arg6[%dma_wait3A_252, %dma_wait3A_258] : memref<80x125xi32, #tpu.memory_space<vmem>> -> memref<1x125xi32, #tpu.memory_space<vmem>>
    %dma_wait3A_260 = tpu.memref_squeeze %dma_wait3A_259 : memref<1x125xi32, #tpu.memory_space<vmem>> -> memref<125xi32, #tpu.memory_space<vmem>>
    %dma_wait3A_261 = arith.constant 0 : i32
    %dma_wait3A_262 = arith.constant 0 : i32
    %dma_wait3A_263 = tpu.memref_slice %arg2[%dma_wait3A_261, %dma_wait3A_262] : memref<320000x16xf32, #tpu.memory_space<hbm>> -> memref<320000x16xf32, #tpu.memory_space<hbm>>
    tpu.wait_indirect_dma semaphore(%arg16 : memref<!tpu.dma_semaphore, #tpu.memory_space<semaphore_mem>>) src(%dma_wait3A_263 : memref<320000x16xf32, #tpu.memory_space<hbm>>) dst(%dma_wait3A_257 : memref<125x16xf32, #tpu.memory_space<vmem>>)
    %dma_start3A_264 = arith.constant 5 : i32
    %dma_start3A_265 = arith.constant 75 : i32
    %dma_start3A_266 = arith.constant 0 : i32
    %dma_start3A_267 = arith.constant 0 : i32
    %dma_start3A_268 = tpu.memref_slice %arg8[%dma_start3A_264, %dma_start3A_266, %dma_start3A_267] : memref<10x125x16xf32, #tpu.memory_space<vmem>> -> memref<1x125x16xf32, #tpu.memory_space<vmem>>
    %dma_start3A_269 = tpu.memref_squeeze %dma_start3A_268 : memref<1x125x16xf32, #tpu.memory_space<vmem>> -> memref<125x16xf32, #tpu.memory_space<vmem>>
    %dma_start3A_270 = arith.constant 0 : i32
    %dma_start3A_271 = tpu.memref_slice %arg7[%dma_start3A_265, %dma_start3A_270] : memref<80x125xi32, #tpu.memory_space<vmem>> -> memref<1x125xi32, #tpu.memory_space<vmem>>
    %dma_start3A_272 = tpu.memref_squeeze %dma_start3A_271 : memref<1x125xi32, #tpu.memory_space<vmem>> -> memref<125xi32, #tpu.memory_space<vmem>>
    %dma_start3A_273 = arith.constant 0 : i32
    %dma_start3A_274 = arith.constant 0 : i32
    %dma_start3A_275 = tpu.memref_slice %arg10[%dma_start3A_273, %dma_start3A_274] : memref<10112x16xf32, #tpu.memory_space<vmem_shared>> -> memref<10112x16xf32, #tpu.memory_space<vmem_shared>>
    tpu.enqueue_indirect_dma source(%dma_start3A_269 : memref<125x16xf32, #tpu.memory_space<vmem>>) target(%dma_start3A_275 : memref<10112x16xf32, #tpu.memory_space<vmem_shared>>) offsets(%dma_start3A_272 : memref<125xi32, #tpu.memory_space<vmem>>) semaphore(%arg26 : memref<!tpu.dma_semaphore, #tpu.memory_space<semaphore_mem>>) {add = true}
    %dma_wait3A_276 = arith.constant 76 : i32
    %dma_wait3A_277 = arith.constant 6 : i32
    %dma_wait3A_278 = arith.constant 0 : i32
    %dma_wait3A_279 = arith.constant 0 : i32
    %dma_wait3A_280 = tpu.memref_slice %arg8[%dma_wait3A_277, %dma_wait3A_278, %dma_wait3A_279] : memref<10x125x16xf32, #tpu.memory_space<vmem>> -> memref<1x125x16xf32, #tpu.memory_space<vmem>>
    %dma_wait3A_281 = tpu.memref_squeeze %dma_wait3A_280 : memref<1x125x16xf32, #tpu.memory_space<vmem>> -> memref<125x16xf32, #tpu.memory_space<vmem>>
    %dma_wait3A_282 = arith.constant 0 : i32
    %dma_wait3A_283 = tpu.memref_slice %arg6[%dma_wait3A_276, %dma_wait3A_282] : memref<80x125xi32, #tpu.memory_space<vmem>> -> memref<1x125xi32, #tpu.memory_space<vmem>>
    %dma_wait3A_284 = tpu.memref_squeeze %dma_wait3A_283 : memref<1x125xi32, #tpu.memory_space<vmem>> -> memref<125xi32, #tpu.memory_space<vmem>>
    %dma_wait3A_285 = arith.constant 0 : i32
    %dma_wait3A_286 = arith.constant 0 : i32
    %dma_wait3A_287 = tpu.memref_slice %arg2[%dma_wait3A_285, %dma_wait3A_286] : memref<320000x16xf32, #tpu.memory_space<hbm>> -> memref<320000x16xf32, #tpu.memory_space<hbm>>
    tpu.wait_indirect_dma semaphore(%arg17 : memref<!tpu.dma_semaphore, #tpu.memory_space<semaphore_mem>>) src(%dma_wait3A_287 : memref<320000x16xf32, #tpu.memory_space<hbm>>) dst(%dma_wait3A_281 : memref<125x16xf32, #tpu.memory_space<vmem>>)
    %dma_start3A_288 = arith.constant 6 : i32
    %dma_start3A_289 = arith.constant 76 : i32
    %dma_start3A_290 = arith.constant 0 : i32
    %dma_start3A_291 = arith.constant 0 : i32
    %dma_start3A_292 = tpu.memref_slice %arg8[%dma_start3A_288, %dma_start3A_290, %dma_start3A_291] : memref<10x125x16xf32, #tpu.memory_space<vmem>> -> memref<1x125x16xf32, #tpu.memory_space<vmem>>
    %dma_start3A_293 = tpu.memref_squeeze %dma_start3A_292 : memref<1x125x16xf32, #tpu.memory_space<vmem>> -> memref<125x16xf32, #tpu.memory_space<vmem>>
    %dma_start3A_294 = arith.constant 0 : i32
    %dma_start3A_295 = tpu.memref_slice %arg7[%dma_start3A_289, %dma_start3A_294] : memref<80x125xi32, #tpu.memory_space<vmem>> -> memref<1x125xi32, #tpu.memory_space<vmem>>
    %dma_start3A_296 = tpu.memref_squeeze %dma_start3A_295 : memref<1x125xi32, #tpu.memory_space<vmem>> -> memref<125xi32, #tpu.memory_space<vmem>>
    %dma_start3A_297 = arith.constant 0 : i32
    %dma_start3A_298 = arith.constant 0 : i32
    %dma_start3A_299 = tpu.memref_slice %arg10[%dma_start3A_297, %dma_start3A_298] : memref<10112x16xf32, #tpu.memory_space<vmem_shared>> -> memref<10112x16xf32, #tpu.memory_space<vmem_shared>>
    tpu.enqueue_indirect_dma source(%dma_start3A_293 : memref<125x16xf32, #tpu.memory_space<vmem>>) target(%dma_start3A_299 : memref<10112x16xf32, #tpu.memory_space<vmem_shared>>) offsets(%dma_start3A_296 : memref<125xi32, #tpu.memory_space<vmem>>) semaphore(%arg27 : memref<!tpu.dma_semaphore, #tpu.memory_space<semaphore_mem>>) {add = true}
    %dma_wait3A_300 = arith.constant 77 : i32
    %dma_wait3A_301 = arith.constant 7 : i32
    %dma_wait3A_302 = arith.constant 0 : i32
    %dma_wait3A_303 = arith.constant 0 : i32
    %dma_wait3A_304 = tpu.memref_slice %arg8[%dma_wait3A_301, %dma_wait3A_302, %dma_wait3A_303] : memref<10x125x16xf32, #tpu.memory_space<vmem>> -> memref<1x125x16xf32, #tpu.memory_space<vmem>>
    %dma_wait3A_305 = tpu.memref_squeeze %dma_wait3A_304 : memref<1x125x16xf32, #tpu.memory_space<vmem>> -> memref<125x16xf32, #tpu.memory_space<vmem>>
    %dma_wait3A_306 = arith.constant 0 : i32
    %dma_wait3A_307 = tpu.memref_slice %arg6[%dma_wait3A_300, %dma_wait3A_306] : memref<80x125xi32, #tpu.memory_space<vmem>> -> memref<1x125xi32, #tpu.memory_space<vmem>>
    %dma_wait3A_308 = tpu.memref_squeeze %dma_wait3A_307 : memref<1x125xi32, #tpu.memory_space<vmem>> -> memref<125xi32, #tpu.memory_space<vmem>>
    %dma_wait3A_309 = arith.constant 0 : i32
    %dma_wait3A_310 = arith.constant 0 : i32
    %dma_wait3A_311 = tpu.memref_slice %arg2[%dma_wait3A_309, %dma_wait3A_310] : memref<320000x16xf32, #tpu.memory_space<hbm>> -> memref<320000x16xf32, #tpu.memory_space<hbm>>
    tpu.wait_indirect_dma semaphore(%arg18 : memref<!tpu.dma_semaphore, #tpu.memory_space<semaphore_mem>>) src(%dma_wait3A_311 : memref<320000x16xf32, #tpu.memory_space<hbm>>) dst(%dma_wait3A_305 : memref<125x16xf32, #tpu.memory_space<vmem>>)
    %dma_start3A_312 = arith.constant 7 : i32
    %dma_start3A_313 = arith.constant 77 : i32
    %dma_start3A_314 = arith.constant 0 : i32
    %dma_start3A_315 = arith.constant 0 : i32
    %dma_start3A_316 = tpu.memref_slice %arg8[%dma_start3A_312, %dma_start3A_314, %dma_start3A_315] : memref<10x125x16xf32, #tpu.memory_space<vmem>> -> memref<1x125x16xf32, #tpu.memory_space<vmem>>
    %dma_start3A_317 = tpu.memref_squeeze %dma_start3A_316 : memref<1x125x16xf32, #tpu.memory_space<vmem>> -> memref<125x16xf32, #tpu.memory_space<vmem>>
    %dma_start3A_318 = arith.constant 0 : i32
    %dma_start3A_319 = tpu.memref_slice %arg7[%dma_start3A_313, %dma_start3A_318] : memref<80x125xi32, #tpu.memory_space<vmem>> -> memref<1x125xi32, #tpu.memory_space<vmem>>
    %dma_start3A_320 = tpu.memref_squeeze %dma_start3A_319 : memref<1x125xi32, #tpu.memory_space<vmem>> -> memref<125xi32, #tpu.memory_space<vmem>>
    %dma_start3A_321 = arith.constant 0 : i32
    %dma_start3A_322 = arith.constant 0 : i32
    %dma_start3A_323 = tpu.memref_slice %arg10[%dma_start3A_321, %dma_start3A_322] : memref<10112x16xf32, #tpu.memory_space<vmem_shared>> -> memref<10112x16xf32, #tpu.memory_space<vmem_shared>>
    tpu.enqueue_indirect_dma source(%dma_start3A_317 : memref<125x16xf32, #tpu.memory_space<vmem>>) target(%dma_start3A_323 : memref<10112x16xf32, #tpu.memory_space<vmem_shared>>) offsets(%dma_start3A_320 : memref<125xi32, #tpu.memory_space<vmem>>) semaphore(%arg28 : memref<!tpu.dma_semaphore, #tpu.memory_space<semaphore_mem>>) {add = true}
    %dma_wait3A_324 = arith.constant 78 : i32
    %dma_wait3A_325 = arith.constant 8 : i32
    %dma_wait3A_326 = arith.constant 0 : i32
    %dma_wait3A_327 = arith.constant 0 : i32
    %dma_wait3A_328 = tpu.memref_slice %arg8[%dma_wait3A_325, %dma_wait3A_326, %dma_wait3A_327] : memref<10x125x16xf32, #tpu.memory_space<vmem>> -> memref<1x125x16xf32, #tpu.memory_space<vmem>>
    %dma_wait3A_329 = tpu.memref_squeeze %dma_wait3A_328 : memref<1x125x16xf32, #tpu.memory_space<vmem>> -> memref<125x16xf32, #tpu.memory_space<vmem>>
    %dma_wait3A_330 = arith.constant 0 : i32
    %dma_wait3A_331 = tpu.memref_slice %arg6[%dma_wait3A_324, %dma_wait3A_330] : memref<80x125xi32, #tpu.memory_space<vmem>> -> memref<1x125xi32, #tpu.memory_space<vmem>>
    %dma_wait3A_332 = tpu.memref_squeeze %dma_wait3A_331 : memref<1x125xi32, #tpu.memory_space<vmem>> -> memref<125xi32, #tpu.memory_space<vmem>>
    %dma_wait3A_333 = arith.constant 0 : i32
    %dma_wait3A_334 = arith.constant 0 : i32
    %dma_wait3A_335 = tpu.memref_slice %arg2[%dma_wait3A_333, %dma_wait3A_334] : memref<320000x16xf32, #tpu.memory_space<hbm>> -> memref<320000x16xf32, #tpu.memory_space<hbm>>
    tpu.wait_indirect_dma semaphore(%arg19 : memref<!tpu.dma_semaphore, #tpu.memory_space<semaphore_mem>>) src(%dma_wait3A_335 : memref<320000x16xf32, #tpu.memory_space<hbm>>) dst(%dma_wait3A_329 : memref<125x16xf32, #tpu.memory_space<vmem>>)
    %dma_start3A_336 = arith.constant 8 : i32
    %dma_start3A_337 = arith.constant 78 : i32
    %dma_start3A_338 = arith.constant 0 : i32
    %dma_start3A_339 = arith.constant 0 : i32
    %dma_start3A_340 = tpu.memref_slice %arg8[%dma_start3A_336, %dma_start3A_338, %dma_start3A_339] : memref<10x125x16xf32, #tpu.memory_space<vmem>> -> memref<1x125x16xf32, #tpu.memory_space<vmem>>
    %dma_start3A_341 = tpu.memref_squeeze %dma_start3A_340 : memref<1x125x16xf32, #tpu.memory_space<vmem>> -> memref<125x16xf32, #tpu.memory_space<vmem>>
    %dma_start3A_342 = arith.constant 0 : i32
    %dma_start3A_343 = tpu.memref_slice %arg7[%dma_start3A_337, %dma_start3A_342] : memref<80x125xi32, #tpu.memory_space<vmem>> -> memref<1x125xi32, #tpu.memory_space<vmem>>
    %dma_start3A_344 = tpu.memref_squeeze %dma_start3A_343 : memref<1x125xi32, #tpu.memory_space<vmem>> -> memref<125xi32, #tpu.memory_space<vmem>>
    %dma_start3A_345 = arith.constant 0 : i32
    %dma_start3A_346 = arith.constant 0 : i32
    %dma_start3A_347 = tpu.memref_slice %arg10[%dma_start3A_345, %dma_start3A_346] : memref<10112x16xf32, #tpu.memory_space<vmem_shared>> -> memref<10112x16xf32, #tpu.memory_space<vmem_shared>>
    tpu.enqueue_indirect_dma source(%dma_start3A_341 : memref<125x16xf32, #tpu.memory_space<vmem>>) target(%dma_start3A_347 : memref<10112x16xf32, #tpu.memory_space<vmem_shared>>) offsets(%dma_start3A_344 : memref<125xi32, #tpu.memory_space<vmem>>) semaphore(%arg29 : memref<!tpu.dma_semaphore, #tpu.memory_space<semaphore_mem>>) {add = true}
    %dma_wait3A_348 = arith.constant 79 : i32
    %dma_wait3A_349 = arith.constant 9 : i32
    %dma_wait3A_350 = arith.constant 0 : i32
    %dma_wait3A_351 = arith.constant 0 : i32
    %dma_wait3A_352 = tpu.memref_slice %arg8[%dma_wait3A_349, %dma_wait3A_350, %dma_wait3A_351] : memref<10x125x16xf32, #tpu.memory_space<vmem>> -> memref<1x125x16xf32, #tpu.memory_space<vmem>>
    %dma_wait3A_353 = tpu.memref_squeeze %dma_wait3A_352 : memref<1x125x16xf32, #tpu.memory_space<vmem>> -> memref<125x16xf32, #tpu.memory_space<vmem>>
    %dma_wait3A_354 = arith.constant 0 : i32
    %dma_wait3A_355 = tpu.memref_slice %arg6[%dma_wait3A_348, %dma_wait3A_354] : memref<80x125xi32, #tpu.memory_space<vmem>> -> memref<1x125xi32, #tpu.memory_space<vmem>>
    %dma_wait3A_356 = tpu.memref_squeeze %dma_wait3A_355 : memref<1x125xi32, #tpu.memory_space<vmem>> -> memref<125xi32, #tpu.memory_space<vmem>>
    %dma_wait3A_357 = arith.constant 0 : i32
    %dma_wait3A_358 = arith.constant 0 : i32
    %dma_wait3A_359 = tpu.memref_slice %arg2[%dma_wait3A_357, %dma_wait3A_358] : memref<320000x16xf32, #tpu.memory_space<hbm>> -> memref<320000x16xf32, #tpu.memory_space<hbm>>
    tpu.wait_indirect_dma semaphore(%arg20 : memref<!tpu.dma_semaphore, #tpu.memory_space<semaphore_mem>>) src(%dma_wait3A_359 : memref<320000x16xf32, #tpu.memory_space<hbm>>) dst(%dma_wait3A_353 : memref<125x16xf32, #tpu.memory_space<vmem>>)
    %dma_start3A_360 = arith.constant 9 : i32
    %dma_start3A_361 = arith.constant 79 : i32
    %dma_start3A_362 = arith.constant 0 : i32
    %dma_start3A_363 = arith.constant 0 : i32
    %dma_start3A_364 = tpu.memref_slice %arg8[%dma_start3A_360, %dma_start3A_362, %dma_start3A_363] : memref<10x125x16xf32, #tpu.memory_space<vmem>> -> memref<1x125x16xf32, #tpu.memory_space<vmem>>
    %dma_start3A_365 = tpu.memref_squeeze %dma_start3A_364 : memref<1x125x16xf32, #tpu.memory_space<vmem>> -> memref<125x16xf32, #tpu.memory_space<vmem>>
    %dma_start3A_366 = arith.constant 0 : i32
    %dma_start3A_367 = tpu.memref_slice %arg7[%dma_start3A_361, %dma_start3A_366] : memref<80x125xi32, #tpu.memory_space<vmem>> -> memref<1x125xi32, #tpu.memory_space<vmem>>
    %dma_start3A_368 = tpu.memref_squeeze %dma_start3A_367 : memref<1x125xi32, #tpu.memory_space<vmem>> -> memref<125xi32, #tpu.memory_space<vmem>>
    %dma_start3A_369 = arith.constant 0 : i32
    %dma_start3A_370 = arith.constant 0 : i32
    %dma_start3A_371 = tpu.memref_slice %arg10[%dma_start3A_369, %dma_start3A_370] : memref<10112x16xf32, #tpu.memory_space<vmem_shared>> -> memref<10112x16xf32, #tpu.memory_space<vmem_shared>>
    tpu.enqueue_indirect_dma source(%dma_start3A_365 : memref<125x16xf32, #tpu.memory_space<vmem>>) target(%dma_start3A_371 : memref<10112x16xf32, #tpu.memory_space<vmem_shared>>) offsets(%dma_start3A_368 : memref<125xi32, #tpu.memory_space<vmem>>) semaphore(%arg30 : memref<!tpu.dma_semaphore, #tpu.memory_space<semaphore_mem>>) {add = true}
    %dma_wait3A_372 = arith.constant 0 : i32
    %dma_wait3A_373 = arith.constant 70 : i32
    %dma_wait3A_374 = arith.constant 0 : i32
    %dma_wait3A_375 = arith.constant 0 : i32
    %dma_wait3A_376 = tpu.memref_slice %arg8[%dma_wait3A_372, %dma_wait3A_374, %dma_wait3A_375] : memref<10x125x16xf32, #tpu.memory_space<vmem>> -> memref<1x125x16xf32, #tpu.memory_space<vmem>>
    %dma_wait3A_377 = tpu.memref_squeeze %dma_wait3A_376 : memref<1x125x16xf32, #tpu.memory_space<vmem>> -> memref<125x16xf32, #tpu.memory_space<vmem>>
    %dma_wait3A_378 = arith.constant 0 : i32
    %dma_wait3A_379 = tpu.memref_slice %arg7[%dma_wait3A_373, %dma_wait3A_378] : memref<80x125xi32, #tpu.memory_space<vmem>> -> memref<1x125xi32, #tpu.memory_space<vmem>>
    %dma_wait3A_380 = tpu.memref_squeeze %dma_wait3A_379 : memref<1x125xi32, #tpu.memory_space<vmem>> -> memref<125xi32, #tpu.memory_space<vmem>>
    %dma_wait3A_381 = arith.constant 0 : i32
    %dma_wait3A_382 = arith.constant 0 : i32
    %dma_wait3A_383 = tpu.memref_slice %arg10[%dma_wait3A_381, %dma_wait3A_382] : memref<10112x16xf32, #tpu.memory_space<vmem_shared>> -> memref<10112x16xf32, #tpu.memory_space<vmem_shared>>
    tpu.wait_indirect_dma semaphore(%arg21 : memref<!tpu.dma_semaphore, #tpu.memory_space<semaphore_mem>>) src(%dma_wait3A_377 : memref<125x16xf32, #tpu.memory_space<vmem>>) dst(%dma_wait3A_383 : memref<10112x16xf32, #tpu.memory_space<vmem_shared>>)
    %dma_wait3A_384 = arith.constant 1 : i32
    %dma_wait3A_385 = arith.constant 71 : i32
    %dma_wait3A_386 = arith.constant 0 : i32
    %dma_wait3A_387 = arith.constant 0 : i32
    %dma_wait3A_388 = tpu.memref_slice %arg8[%dma_wait3A_384, %dma_wait3A_386, %dma_wait3A_387] : memref<10x125x16xf32, #tpu.memory_space<vmem>> -> memref<1x125x16xf32, #tpu.memory_space<vmem>>
    %dma_wait3A_389 = tpu.memref_squeeze %dma_wait3A_388 : memref<1x125x16xf32, #tpu.memory_space<vmem>> -> memref<125x16xf32, #tpu.memory_space<vmem>>
    %dma_wait3A_390 = arith.constant 0 : i32
    %dma_wait3A_391 = tpu.memref_slice %arg7[%dma_wait3A_385, %dma_wait3A_390] : memref<80x125xi32, #tpu.memory_space<vmem>> -> memref<1x125xi32, #tpu.memory_space<vmem>>
    %dma_wait3A_392 = tpu.memref_squeeze %dma_wait3A_391 : memref<1x125xi32, #tpu.memory_space<vmem>> -> memref<125xi32, #tpu.memory_space<vmem>>
    %dma_wait3A_393 = arith.constant 0 : i32
    %dma_wait3A_394 = arith.constant 0 : i32
    %dma_wait3A_395 = tpu.memref_slice %arg10[%dma_wait3A_393, %dma_wait3A_394] : memref<10112x16xf32, #tpu.memory_space<vmem_shared>> -> memref<10112x16xf32, #tpu.memory_space<vmem_shared>>
    tpu.wait_indirect_dma semaphore(%arg22 : memref<!tpu.dma_semaphore, #tpu.memory_space<semaphore_mem>>) src(%dma_wait3A_389 : memref<125x16xf32, #tpu.memory_space<vmem>>) dst(%dma_wait3A_395 : memref<10112x16xf32, #tpu.memory_space<vmem_shared>>)
    %dma_wait3A_396 = arith.constant 2 : i32
    %dma_wait3A_397 = arith.constant 72 : i32
    %dma_wait3A_398 = arith.constant 0 : i32
    %dma_wait3A_399 = arith.constant 0 : i32
    %dma_wait3A_400 = tpu.memref_slice %arg8[%dma_wait3A_396, %dma_wait3A_398, %dma_wait3A_399] : memref<10x125x16xf32, #tpu.memory_space<vmem>> -> memref<1x125x16xf32, #tpu.memory_space<vmem>>
    %dma_wait3A_401 = tpu.memref_squeeze %dma_wait3A_400 : memref<1x125x16xf32, #tpu.memory_space<vmem>> -> memref<125x16xf32, #tpu.memory_space<vmem>>
    %dma_wait3A_402 = arith.constant 0 : i32
    %dma_wait3A_403 = tpu.memref_slice %arg7[%dma_wait3A_397, %dma_wait3A_402] : memref<80x125xi32, #tpu.memory_space<vmem>> -> memref<1x125xi32, #tpu.memory_space<vmem>>
    %dma_wait3A_404 = tpu.memref_squeeze %dma_wait3A_403 : memref<1x125xi32, #tpu.memory_space<vmem>> -> memref<125xi32, #tpu.memory_space<vmem>>
    %dma_wait3A_405 = arith.constant 0 : i32
    %dma_wait3A_406 = arith.constant 0 : i32
    %dma_wait3A_407 = tpu.memref_slice %arg10[%dma_wait3A_405, %dma_wait3A_406] : memref<10112x16xf32, #tpu.memory_space<vmem_shared>> -> memref<10112x16xf32, #tpu.memory_space<vmem_shared>>
    tpu.wait_indirect_dma semaphore(%arg23 : memref<!tpu.dma_semaphore, #tpu.memory_space<semaphore_mem>>) src(%dma_wait3A_401 : memref<125x16xf32, #tpu.memory_space<vmem>>) dst(%dma_wait3A_407 : memref<10112x16xf32, #tpu.memory_space<vmem_shared>>)
    %dma_wait3A_408 = arith.constant 3 : i32
    %dma_wait3A_409 = arith.constant 73 : i32
    %dma_wait3A_410 = arith.constant 0 : i32
    %dma_wait3A_411 = arith.constant 0 : i32
    %dma_wait3A_412 = tpu.memref_slice %arg8[%dma_wait3A_408, %dma_wait3A_410, %dma_wait3A_411] : memref<10x125x16xf32, #tpu.memory_space<vmem>> -> memref<1x125x16xf32, #tpu.memory_space<vmem>>
    %dma_wait3A_413 = tpu.memref_squeeze %dma_wait3A_412 : memref<1x125x16xf32, #tpu.memory_space<vmem>> -> memref<125x16xf32, #tpu.memory_space<vmem>>
    %dma_wait3A_414 = arith.constant 0 : i32
    %dma_wait3A_415 = tpu.memref_slice %arg7[%dma_wait3A_409, %dma_wait3A_414] : memref<80x125xi32, #tpu.memory_space<vmem>> -> memref<1x125xi32, #tpu.memory_space<vmem>>
    %dma_wait3A_416 = tpu.memref_squeeze %dma_wait3A_415 : memref<1x125xi32, #tpu.memory_space<vmem>> -> memref<125xi32, #tpu.memory_space<vmem>>
    %dma_wait3A_417 = arith.constant 0 : i32
    %dma_wait3A_418 = arith.constant 0 : i32
    %dma_wait3A_419 = tpu.memref_slice %arg10[%dma_wait3A_417, %dma_wait3A_418] : memref<10112x16xf32, #tpu.memory_space<vmem_shared>> -> memref<10112x16xf32, #tpu.memory_space<vmem_shared>>
    tpu.wait_indirect_dma semaphore(%arg24 : memref<!tpu.dma_semaphore, #tpu.memory_space<semaphore_mem>>) src(%dma_wait3A_413 : memref<125x16xf32, #tpu.memory_space<vmem>>) dst(%dma_wait3A_419 : memref<10112x16xf32, #tpu.memory_space<vmem_shared>>)
    %dma_wait3A_420 = arith.constant 4 : i32
    %dma_wait3A_421 = arith.constant 74 : i32
    %dma_wait3A_422 = arith.constant 0 : i32
    %dma_wait3A_423 = arith.constant 0 : i32
    %dma_wait3A_424 = tpu.memref_slice %arg8[%dma_wait3A_420, %dma_wait3A_422, %dma_wait3A_423] : memref<10x125x16xf32, #tpu.memory_space<vmem>> -> memref<1x125x16xf32, #tpu.memory_space<vmem>>
    %dma_wait3A_425 = tpu.memref_squeeze %dma_wait3A_424 : memref<1x125x16xf32, #tpu.memory_space<vmem>> -> memref<125x16xf32, #tpu.memory_space<vmem>>
    %dma_wait3A_426 = arith.constant 0 : i32
    %dma_wait3A_427 = tpu.memref_slice %arg7[%dma_wait3A_421, %dma_wait3A_426] : memref<80x125xi32, #tpu.memory_space<vmem>> -> memref<1x125xi32, #tpu.memory_space<vmem>>
    %dma_wait3A_428 = tpu.memref_squeeze %dma_wait3A_427 : memref<1x125xi32, #tpu.memory_space<vmem>> -> memref<125xi32, #tpu.memory_space<vmem>>
    %dma_wait3A_429 = arith.constant 0 : i32
    %dma_wait3A_430 = arith.constant 0 : i32
    %dma_wait3A_431 = tpu.memref_slice %arg10[%dma_wait3A_429, %dma_wait3A_430] : memref<10112x16xf32, #tpu.memory_space<vmem_shared>> -> memref<10112x16xf32, #tpu.memory_space<vmem_shared>>
    tpu.wait_indirect_dma semaphore(%arg25 : memref<!tpu.dma_semaphore, #tpu.memory_space<semaphore_mem>>) src(%dma_wait3A_425 : memref<125x16xf32, #tpu.memory_space<vmem>>) dst(%dma_wait3A_431 : memref<10112x16xf32, #tpu.memory_space<vmem_shared>>)
    %dma_wait3A_432 = arith.constant 5 : i32
    %dma_wait3A_433 = arith.constant 75 : i32
    %dma_wait3A_434 = arith.constant 0 : i32
    %dma_wait3A_435 = arith.constant 0 : i32
    %dma_wait3A_436 = tpu.memref_slice %arg8[%dma_wait3A_432, %dma_wait3A_434, %dma_wait3A_435] : memref<10x125x16xf32, #tpu.memory_space<vmem>> -> memref<1x125x16xf32, #tpu.memory_space<vmem>>
    %dma_wait3A_437 = tpu.memref_squeeze %dma_wait3A_436 : memref<1x125x16xf32, #tpu.memory_space<vmem>> -> memref<125x16xf32, #tpu.memory_space<vmem>>
    %dma_wait3A_438 = arith.constant 0 : i32
    %dma_wait3A_439 = tpu.memref_slice %arg7[%dma_wait3A_433, %dma_wait3A_438] : memref<80x125xi32, #tpu.memory_space<vmem>> -> memref<1x125xi32, #tpu.memory_space<vmem>>
    %dma_wait3A_440 = tpu.memref_squeeze %dma_wait3A_439 : memref<1x125xi32, #tpu.memory_space<vmem>> -> memref<125xi32, #tpu.memory_space<vmem>>
    %dma_wait3A_441 = arith.constant 0 : i32
    %dma_wait3A_442 = arith.constant 0 : i32
    %dma_wait3A_443 = tpu.memref_slice %arg10[%dma_wait3A_441, %dma_wait3A_442] : memref<10112x16xf32, #tpu.memory_space<vmem_shared>> -> memref<10112x16xf32, #tpu.memory_space<vmem_shared>>
    tpu.wait_indirect_dma semaphore(%arg26 : memref<!tpu.dma_semaphore, #tpu.memory_space<semaphore_mem>>) src(%dma_wait3A_437 : memref<125x16xf32, #tpu.memory_space<vmem>>) dst(%dma_wait3A_443 : memref<10112x16xf32, #tpu.memory_space<vmem_shared>>)
    %dma_wait3A_444 = arith.constant 6 : i32
    %dma_wait3A_445 = arith.constant 76 : i32
    %dma_wait3A_446 = arith.constant 0 : i32
    %dma_wait3A_447 = arith.constant 0 : i32
    %dma_wait3A_448 = tpu.memref_slice %arg8[%dma_wait3A_444, %dma_wait3A_446, %dma_wait3A_447] : memref<10x125x16xf32, #tpu.memory_space<vmem>> -> memref<1x125x16xf32, #tpu.memory_space<vmem>>
    %dma_wait3A_449 = tpu.memref_squeeze %dma_wait3A_448 : memref<1x125x16xf32, #tpu.memory_space<vmem>> -> memref<125x16xf32, #tpu.memory_space<vmem>>
    %dma_wait3A_450 = arith.constant 0 : i32
    %dma_wait3A_451 = tpu.memref_slice %arg7[%dma_wait3A_445, %dma_wait3A_450] : memref<80x125xi32, #tpu.memory_space<vmem>> -> memref<1x125xi32, #tpu.memory_space<vmem>>
    %dma_wait3A_452 = tpu.memref_squeeze %dma_wait3A_451 : memref<1x125xi32, #tpu.memory_space<vmem>> -> memref<125xi32, #tpu.memory_space<vmem>>
    %dma_wait3A_453 = arith.constant 0 : i32
    %dma_wait3A_454 = arith.constant 0 : i32
    %dma_wait3A_455 = tpu.memref_slice %arg10[%dma_wait3A_453, %dma_wait3A_454] : memref<10112x16xf32, #tpu.memory_space<vmem_shared>> -> memref<10112x16xf32, #tpu.memory_space<vmem_shared>>
    tpu.wait_indirect_dma semaphore(%arg27 : memref<!tpu.dma_semaphore, #tpu.memory_space<semaphore_mem>>) src(%dma_wait3A_449 : memref<125x16xf32, #tpu.memory_space<vmem>>) dst(%dma_wait3A_455 : memref<10112x16xf32, #tpu.memory_space<vmem_shared>>)
    %dma_wait3A_456 = arith.constant 7 : i32
    %dma_wait3A_457 = arith.constant 77 : i32
    %dma_wait3A_458 = arith.constant 0 : i32
    %dma_wait3A_459 = arith.constant 0 : i32
    %dma_wait3A_460 = tpu.memref_slice %arg8[%dma_wait3A_456, %dma_wait3A_458, %dma_wait3A_459] : memref<10x125x16xf32, #tpu.memory_space<vmem>> -> memref<1x125x16xf32, #tpu.memory_space<vmem>>
    %dma_wait3A_461 = tpu.memref_squeeze %dma_wait3A_460 : memref<1x125x16xf32, #tpu.memory_space<vmem>> -> memref<125x16xf32, #tpu.memory_space<vmem>>
    %dma_wait3A_462 = arith.constant 0 : i32
    %dma_wait3A_463 = tpu.memref_slice %arg7[%dma_wait3A_457, %dma_wait3A_462] : memref<80x125xi32, #tpu.memory_space<vmem>> -> memref<1x125xi32, #tpu.memory_space<vmem>>
    %dma_wait3A_464 = tpu.memref_squeeze %dma_wait3A_463 : memref<1x125xi32, #tpu.memory_space<vmem>> -> memref<125xi32, #tpu.memory_space<vmem>>
    %dma_wait3A_465 = arith.constant 0 : i32
    %dma_wait3A_466 = arith.constant 0 : i32
    %dma_wait3A_467 = tpu.memref_slice %arg10[%dma_wait3A_465, %dma_wait3A_466] : memref<10112x16xf32, #tpu.memory_space<vmem_shared>> -> memref<10112x16xf32, #tpu.memory_space<vmem_shared>>
    tpu.wait_indirect_dma semaphore(%arg28 : memref<!tpu.dma_semaphore, #tpu.memory_space<semaphore_mem>>) src(%dma_wait3A_461 : memref<125x16xf32, #tpu.memory_space<vmem>>) dst(%dma_wait3A_467 : memref<10112x16xf32, #tpu.memory_space<vmem_shared>>)
    %dma_wait3A_468 = arith.constant 8 : i32
    %dma_wait3A_469 = arith.constant 78 : i32
    %dma_wait3A_470 = arith.constant 0 : i32
    %dma_wait3A_471 = arith.constant 0 : i32
    %dma_wait3A_472 = tpu.memref_slice %arg8[%dma_wait3A_468, %dma_wait3A_470, %dma_wait3A_471] : memref<10x125x16xf32, #tpu.memory_space<vmem>> -> memref<1x125x16xf32, #tpu.memory_space<vmem>>
    %dma_wait3A_473 = tpu.memref_squeeze %dma_wait3A_472 : memref<1x125x16xf32, #tpu.memory_space<vmem>> -> memref<125x16xf32, #tpu.memory_space<vmem>>
    %dma_wait3A_474 = arith.constant 0 : i32
    %dma_wait3A_475 = tpu.memref_slice %arg7[%dma_wait3A_469, %dma_wait3A_474] : memref<80x125xi32, #tpu.memory_space<vmem>> -> memref<1x125xi32, #tpu.memory_space<vmem>>
    %dma_wait3A_476 = tpu.memref_squeeze %dma_wait3A_475 : memref<1x125xi32, #tpu.memory_space<vmem>> -> memref<125xi32, #tpu.memory_space<vmem>>
    %dma_wait3A_477 = arith.constant 0 : i32
    %dma_wait3A_478 = arith.constant 0 : i32
    %dma_wait3A_479 = tpu.memref_slice %arg10[%dma_wait3A_477, %dma_wait3A_478] : memref<10112x16xf32, #tpu.memory_space<vmem_shared>> -> memref<10112x16xf32, #tpu.memory_space<vmem_shared>>
    tpu.wait_indirect_dma semaphore(%arg29 : memref<!tpu.dma_semaphore, #tpu.memory_space<semaphore_mem>>) src(%dma_wait3A_473 : memref<125x16xf32, #tpu.memory_space<vmem>>) dst(%dma_wait3A_479 : memref<10112x16xf32, #tpu.memory_space<vmem_shared>>)
    %dma_wait3A_480 = arith.constant 9 : i32
    %dma_wait3A_481 = arith.constant 79 : i32
    %dma_wait3A_482 = arith.constant 0 : i32
    %dma_wait3A_483 = arith.constant 0 : i32
    %dma_wait3A_484 = tpu.memref_slice %arg8[%dma_wait3A_480, %dma_wait3A_482, %dma_wait3A_483] : memref<10x125x16xf32, #tpu.memory_space<vmem>> -> memref<1x125x16xf32, #tpu.memory_space<vmem>>
    %dma_wait3A_485 = tpu.memref_squeeze %dma_wait3A_484 : memref<1x125x16xf32, #tpu.memory_space<vmem>> -> memref<125x16xf32, #tpu.memory_space<vmem>>
    %dma_wait3A_486 = arith.constant 0 : i32
    %dma_wait3A_487 = tpu.memref_slice %arg7[%dma_wait3A_481, %dma_wait3A_486] : memref<80x125xi32, #tpu.memory_space<vmem>> -> memref<1x125xi32, #tpu.memory_space<vmem>>
    %dma_wait3A_488 = tpu.memref_squeeze %dma_wait3A_487 : memref<1x125xi32, #tpu.memory_space<vmem>> -> memref<125xi32, #tpu.memory_space<vmem>>
    %dma_wait3A_489 = arith.constant 0 : i32
    %dma_wait3A_490 = arith.constant 0 : i32
    %dma_wait3A_491 = tpu.memref_slice %arg10[%dma_wait3A_489, %dma_wait3A_490] : memref<10112x16xf32, #tpu.memory_space<vmem_shared>> -> memref<10112x16xf32, #tpu.memory_space<vmem_shared>>
    tpu.wait_indirect_dma semaphore(%arg30 : memref<!tpu.dma_semaphore, #tpu.memory_space<semaphore_mem>>) src(%dma_wait3A_485 : memref<125x16xf32, #tpu.memory_space<vmem>>) dst(%dma_wait3A_491 : memref<10112x16xf32, #tpu.memory_space<vmem_shared>>)
    %barrier3A_492 = arith.constant 0 : index
    tpu.barrier barrier_id(%barrier3A_492)
    %lt3A = arith.constant 10 : i32
    %lt3A_493 = arith.cmpi slt, %arg1, %lt3A : i32
    %convert_element_type3A = arith.extui %lt3A_493 : i1 to i32
    %cond3A = arith.constant 0 : i32
    %cond3A_494 = arith.cmpi ne, %convert_element_type3A, %cond3A : i32
    scf.if %cond3A_494 {
      %mul3A_495 = arith.constant 1000 : i32
      %mul3A_496 = arith.muli %arg1, %mul3A_495 : i32
      %mul3A_497 = arith.constant 1000 : i32
      %mul3A_498 = arith.muli %arg1, %mul3A_497 : i32
      "tpu.region"() ({
        %run_scoped3A = tpu.sem_alloc : memref<!tpu.dma_semaphore, #tpu.memory_space<semaphore_mem>>
        %dma_start3A_499 = arith.constant 0 : i32
        %dma_start3A_500 = tpu.memref_slice %arg5[%arg0, %mul3A_498, %dma_start3A_499] : memref<2x10000x16xf32, #tpu.memory_space<hbm>> -> memref<1x1000x16xf32, #tpu.memory_space<hbm>>
        %dma_start3A_501 = tpu.memref_squeeze %dma_start3A_500 : memref<1x1000x16xf32, #tpu.memory_space<hbm>> -> memref<1000x16xf32, #tpu.memory_space<hbm>>
        %dma_start3A_502 = arith.constant 0 : i32
        %dma_start3A_503 = tpu.memref_slice %arg10[%mul3A_496, %dma_start3A_502] : memref<10112x16xf32, #tpu.memory_space<vmem_shared>> -> memref<1000x16xf32, #tpu.memory_space<vmem_shared>>
        tpu.enqueue_dma source(%dma_start3A_503 : memref<1000x16xf32, #tpu.memory_space<vmem_shared>>) target(%dma_start3A_501 : memref<1000x16xf32, #tpu.memory_space<hbm>>) target_semaphore(%run_scoped3A : memref<!tpu.dma_semaphore, #tpu.memory_space<semaphore_mem>>)
        %dma_wait3A_504 = arith.constant 0 : i32
        %dma_wait3A_505 = tpu.memref_slice %arg5[%arg0, %mul3A_498, %dma_wait3A_504] : memref<2x10000x16xf32, #tpu.memory_space<hbm>> -> memref<1x1000x16xf32, #tpu.memory_space<hbm>>
        %dma_wait3A_506 = tpu.memref_squeeze %dma_wait3A_505 : memref<1x1000x16xf32, #tpu.memory_space<hbm>> -> memref<1000x16xf32, #tpu.memory_space<hbm>>
        %dma_wait3A_507 = arith.constant 0 : i32
        %dma_wait3A_508 = tpu.memref_slice %arg10[%mul3A_496, %dma_wait3A_507] : memref<10112x16xf32, #tpu.memory_space<vmem_shared>> -> memref<1000x16xf32, #tpu.memory_space<vmem_shared>>
        tpu.wait_dma2 semaphore(%run_scoped3A : memref<!tpu.dma_semaphore, #tpu.memory_space<semaphore_mem>>) src(%dma_wait3A_508 : memref<1000x16xf32, #tpu.memory_space<vmem_shared>>) dst(%dma_wait3A_506 : memref<1000x16xf32, #tpu.memory_space<hbm>>)
        tpu.yield
      }) : () -> ()
    } else {
    }
    return
  }
}

module attributes {stable_mosaic.version = 14 : i64} {
  func.func @_mm_body(%arg0: i32, %arg1: memref<2000x128xf32, #tpu.memory_space<vmem>>, %arg2: memref<128x512xf32, #tpu.memory_space<vmem>>, %arg3: memref<2000x512xf32, #tpu.memory_space<vmem>>) attributes {dimension_semantics = [#tpu.dimension_semantics<arbitrary>], iteration_bounds = array<i64: 5>, scalar_prefetch = 0 : i64, scratch_operands = 0 : i64, tpu.core_type = #tpu.core_type<tc>, window_params = [{transform_indices = @transform_0, window_bounds = array<i64: 2000, 128>}, {pipeline_mode = #tpu.pipeline_mode<synchronous>, transform_indices = @transform_1, window_bounds = array<i64: 128, 512>}, {transform_indices = @transform_2, window_bounds = array<i64: 2000, 512>}]} {
    %get3A = arith.constant 0 : index
    %get3A_0 = arith.constant 0 : index
    %get3A_1 = vector.load %arg1[%get3A, %get3A_0] : memref<2000x128xf32, #tpu.memory_space<vmem>>, vector<2000x128xf32>
    %get3A_2 = arith.constant 0 : index
    %get3A_3 = arith.constant 0 : index
    %get3A_4 = vector.load %arg2[%get3A_2, %get3A_3] : memref<128x512xf32, #tpu.memory_space<vmem>>, vector<128x512xf32>
    %dot_general3A = arith.constant dense<0.000000e+00> : vector<2000x512xf32>
    %dot_general3A_5 = tpu.matmul %get3A_1, %get3A_4, %dot_general3A {dimension_numbers = #tpu.dot_dimension_numbers<[1], [0], [0], [1], [0, 0, 1, 1], [], []>, transpose_lhs_hint = false} : vector<2000x128xf32>, vector<128x512xf32>, vector<2000x512xf32> -> vector<2000x512xf32>
    %swap3A = arith.constant 0 : index
    %swap3A_6 = arith.constant 0 : index
    %swap3A_7 = vector.load %arg3[%swap3A, %swap3A_6] : memref<2000x512xf32, #tpu.memory_space<vmem>>, vector<2000x512xf32>
    tpu.vector_store %arg3[%swap3A, %swap3A_6], %dot_general3A_5 {strides = array<i32>} : memref<2000x512xf32, #tpu.memory_space<vmem>>, vector<2000x512xf32>,
    return
  }
  func.func @transform_0(%arg0: i32) -> (i32, i32) {
    %c0_i32 = arith.constant 0 : i32
    %c0_i32_0 = arith.constant 0 : i32
    return %arg0, %c0_i32 : i32, i32
  }
  func.func @transform_1(%arg0: i32) -> (i32, i32) {
    %c0_i32 = arith.constant 0 : i32
    %c0_i32_0 = arith.constant 0 : i32
    %c0_i32_1 = arith.constant 0 : i32
    return %c0_i32, %c0_i32_0 : i32, i32
  }
  func.func @transform_2(%arg0: i32) -> (i32, i32) {
    %c0_i32 = arith.constant 0 : i32
    %c0_i32_0 = arith.constant 0 : i32
    return %arg0, %c0_i32 : i32, i32
  }
}

module attributes {stable_mosaic.version = 14 : i64} {
  func.func @_tail_body(%arg0: memref<2x1250x128xf32, #tpu.memory_space<vmem>>, %arg1: memref<1250x64xf32, #tpu.memory_space<vmem>>, %arg2: memref<1250x128xf32, #tpu.memory_space<vmem>>, %arg3: memref<1250x128xf32, #tpu.memory_space<vmem>>, %arg4: memref<64x128xf32, #tpu.memory_space<vmem>>, %arg5: memref<1x128xf32, #tpu.memory_space<vmem>>, %arg6: memref<128x512xf32, #tpu.memory_space<vmem>>, %arg7: memref<128x512xf32, #tpu.memory_space<vmem>>, %arg8: memref<1x512xf32, #tpu.memory_space<vmem>>, %arg9: memref<128x64xf32, #tpu.memory_space<vmem>>, %arg10: memref<1x64xf32, #tpu.memory_space<vmem>>, %arg11: memref<128x1024xf32, #tpu.memory_space<vmem>>, %arg12: memref<1x1024xf32, #tpu.memory_space<vmem>>, %arg13: memref<1250x64xf32, #tpu.memory_space<vmem>>, %arg14: memref<1250x1024xf32, #tpu.memory_space<vmem>>, %arg15: memref<1250x128xf32, #tpu.memory_space<vmem>>, %arg16: memref<1250x128xf32, #tpu.memory_space<vmem>>) attributes {dimension_semantics = [], scalar_prefetch = 0 : i64, scratch_operands = 0 : i64, tpu.core_type = #tpu.core_type<tc>} {
    %get3A = arith.constant 0 : index
    %get3A_0 = arith.constant 0 : index
    %get3A_1 = arith.constant 0 : index
    %get3A_2 = vector.load %arg0[%get3A, %get3A_0, %get3A_1] : memref<2x1250x128xf32, #tpu.memory_space<vmem>>, vector<1x1250x128xf32>
    %get3A_3 = vector.shape_cast %get3A_2 : vector<1x1250x128xf32> to vector<1250x128xf32>
    %get3A_4 = arith.constant 1 : index
    %get3A_5 = arith.constant 0 : index
    %get3A_6 = arith.constant 0 : index
    %get3A_7 = vector.load %arg0[%get3A_4, %get3A_5, %get3A_6] : memref<2x1250x128xf32, #tpu.memory_space<vmem>>, vector<1x1250x128xf32>
    %get3A_8 = vector.shape_cast %get3A_7 : vector<1x1250x128xf32> to vector<1250x128xf32>
    %add3A = arith.addf %get3A_3, %get3A_8 : vector<1250x128xf32>
    %get3A_9 = arith.constant 0 : index
    %get3A_10 = arith.constant 0 : index
    %get3A_11 = vector.load %arg1[%get3A_9, %get3A_10] : memref<1250x64xf32, #tpu.memory_space<vmem>>, vector<1250x64xf32>
    %get3A_12 = arith.constant 0 : index
    %get3A_13 = arith.constant 0 : index
    %get3A_14 = vector.load %arg4[%get3A_12, %get3A_13] : memref<64x128xf32, #tpu.memory_space<vmem>>, vector<64x128xf32>
    %dot_general3A = arith.constant dense<0.000000e+00> : vector<1250x128xf32>
    %dot_general3A_15 = tpu.matmul %get3A_11, %get3A_14, %dot_general3A {dimension_numbers = #tpu.dot_dimension_numbers<[1], [0], [0], [1], [0, 0, 1, 1], [], []>, transpose_lhs_hint = false} : vector<1250x64xf32>, vector<64x128xf32>, vector<1250x128xf32> -> vector<1250x128xf32>
    %add3A_16 = arith.addf %add3A, %dot_general3A_15 : vector<1250x128xf32>
    %get3A_17 = arith.constant 0 : index
    %get3A_18 = arith.constant 0 : index
    %get3A_19 = vector.load %arg5[%get3A_17, %get3A_18] : memref<1x128xf32, #tpu.memory_space<vmem>>, vector<1x128xf32>
    %add3A_20 = vector.broadcast %get3A_19 : vector<1x128xf32> to vector<1250x128xf32>
    %add3A_21 = arith.addf %add3A_16, %add3A_20 : vector<1250x128xf32>
    %tanh3A = math.tanh %add3A_21 : vector<1250x128xf32>
    %get3A_22 = arith.constant 0 : index
    %get3A_23 = arith.constant 0 : index
    %get3A_24 = vector.load %arg6[%get3A_22, %get3A_23] : memref<128x512xf32, #tpu.memory_space<vmem>>, vector<128x512xf32>
    %dot_general3A_25 = arith.constant dense<0.000000e+00> : vector<1250x512xf32>
    %dot_general3A_26 = tpu.matmul %tanh3A, %get3A_24, %dot_general3A_25 {dimension_numbers = #tpu.dot_dimension_numbers<[1], [0], [0], [1], [0, 0, 1, 1], [], []>, transpose_lhs_hint = false} : vector<1250x128xf32>, vector<128x512xf32>, vector<1250x512xf32> -> vector<1250x512xf32>
    %get3A_27 = arith.constant 0 : index
    %get3A_28 = arith.constant 0 : index
    %get3A_29 = vector.load %arg3[%get3A_27, %get3A_28] : memref<1250x128xf32, #tpu.memory_space<vmem>>, vector<1250x128xf32>
    %get3A_30 = arith.constant 0 : index
    %get3A_31 = arith.constant 0 : index
    %get3A_32 = vector.load %arg7[%get3A_30, %get3A_31] : memref<128x512xf32, #tpu.memory_space<vmem>>, vector<128x512xf32>
    %dot_general3A_33 = arith.constant dense<0.000000e+00> : vector<1250x512xf32>
    %dot_general3A_34 = tpu.matmul %get3A_29, %get3A_32, %dot_general3A_33 {dimension_numbers = #tpu.dot_dimension_numbers<[1], [0], [0], [1], [0, 0, 1, 1], [], []>, transpose_lhs_hint = false} : vector<1250x128xf32>, vector<128x512xf32>, vector<1250x512xf32> -> vector<1250x512xf32>
    %add3A_35 = arith.addf %dot_general3A_26, %dot_general3A_34 : vector<1250x512xf32>
    %get3A_36 = arith.constant 0 : index
    %get3A_37 = arith.constant 0 : index
    %get3A_38 = vector.load %arg8[%get3A_36, %get3A_37] : memref<1x512xf32, #tpu.memory_space<vmem>>, vector<1x512xf32>
    %add3A_39 = vector.broadcast %get3A_38 : vector<1x512xf32> to vector<1250x512xf32>
    %add3A_40 = arith.addf %add3A_35, %add3A_39 : vector<1250x512xf32>
    %slice3A = vector.extract_strided_slice %add3A_40 {offsets = [0, 0], sizes = [1250, 128], strides = [1, 1]} : vector<1250x512xf32> to vector<1250x128xf32>
    %logistic3A = arith.negf %slice3A : vector<1250x128xf32>
    %logistic3A_41 = math.exp %logistic3A : vector<1250x128xf32>
    %logistic3A_42 = arith.constant 1.000000e+00 : f32
    %logistic3A_43 = vector.broadcast %logistic3A_42 : f32 to vector<1250x128xf32>
    %logistic3A_44 = arith.addf %logistic3A_43, %logistic3A_41 : vector<1250x128xf32>
    %logistic3A_45 = arith.divf %logistic3A_43, %logistic3A_44 : vector<1250x128xf32>
    %slice3A_46 = vector.extract_strided_slice %add3A_40 {offsets = [0, 128], sizes = [1250, 128], strides = [1, 1]} : vector<1250x512xf32> to vector<1250x128xf32>
    %logistic3A_47 = arith.negf %slice3A_46 : vector<1250x128xf32>
    %logistic3A_48 = math.exp %logistic3A_47 : vector<1250x128xf32>
    %logistic3A_49 = arith.constant 1.000000e+00 : f32
    %logistic3A_50 = vector.broadcast %logistic3A_49 : f32 to vector<1250x128xf32>
    %logistic3A_51 = arith.addf %logistic3A_50, %logistic3A_48 : vector<1250x128xf32>
    %logistic3A_52 = arith.divf %logistic3A_50, %logistic3A_51 : vector<1250x128xf32>
    %slice3A_53 = vector.extract_strided_slice %add3A_40 {offsets = [0, 256], sizes = [1250, 128], strides = [1, 1]} : vector<1250x512xf32> to vector<1250x128xf32>
    %tanh3A_54 = math.tanh %slice3A_53 : vector<1250x128xf32>
    %slice3A_55 = vector.extract_strided_slice %add3A_40 {offsets = [0, 384], sizes = [1250, 128], strides = [1, 1]} : vector<1250x512xf32> to vector<1250x128xf32>
    %logistic3A_56 = arith.negf %slice3A_55 : vector<1250x128xf32>
    %logistic3A_57 = math.exp %logistic3A_56 : vector<1250x128xf32>
    %logistic3A_58 = arith.constant 1.000000e+00 : f32
    %logistic3A_59 = vector.broadcast %logistic3A_58 : f32 to vector<1250x128xf32>
    %logistic3A_60 = arith.addf %logistic3A_59, %logistic3A_57 : vector<1250x128xf32>
    %logistic3A_61 = arith.divf %logistic3A_59, %logistic3A_60 : vector<1250x128xf32>
    %get3A_62 = arith.constant 0 : index
    %get3A_63 = arith.constant 0 : index
    %get3A_64 = vector.load %arg2[%get3A_62, %get3A_63] : memref<1250x128xf32, #tpu.memory_space<vmem>>, vector<1250x128xf32>
    %mul3A = arith.mulf %logistic3A_52, %get3A_64 : vector<1250x128xf32>
    %mul3A_65 = arith.mulf %logistic3A_45, %tanh3A_54 : vector<1250x128xf32>
    %add3A_66 = arith.addf %mul3A, %mul3A_65 : vector<1250x128xf32>
    %tanh3A_67 = math.tanh %add3A_66 : vector<1250x128xf32>
    %mul3A_68 = arith.mulf %logistic3A_61, %tanh3A_67 : vector<1250x128xf32>
    %swap3A = arith.constant 0 : index
    %swap3A_69 = arith.constant 0 : index
    %swap3A_70 = vector.load %arg15[%swap3A, %swap3A_69] : memref<1250x128xf32, #tpu.memory_space<vmem>>, vector<1250x128xf32>
    tpu.vector_store %arg15[%swap3A, %swap3A_69], %add3A_66 {strides = array<i32>} : memref<1250x128xf32, #tpu.memory_space<vmem>>, vector<1250x128xf32>,
    %swap3A_71 = arith.constant 0 : index
    %swap3A_72 = arith.constant 0 : index
    %swap3A_73 = vector.load %arg16[%swap3A_71, %swap3A_72] : memref<1250x128xf32, #tpu.memory_space<vmem>>, vector<1250x128xf32>
    tpu.vector_store %arg16[%swap3A_71, %swap3A_72], %mul3A_68 {strides = array<i32>} : memref<1250x128xf32, #tpu.memory_space<vmem>>, vector<1250x128xf32>,
    %get3A_74 = arith.constant 0 : index
    %get3A_75 = arith.constant 0 : index
    %get3A_76 = vector.load %arg9[%get3A_74, %get3A_75] : memref<128x64xf32, #tpu.memory_space<vmem>>, vector<128x64xf32>
    %dot_general3A_77 = arith.constant dense<0.000000e+00> : vector<1250x64xf32>
    %dot_general3A_78 = tpu.matmul %mul3A_68, %get3A_76, %dot_general3A_77 {dimension_numbers = #tpu.dot_dimension_numbers<[1], [0], [0], [1], [0, 0, 1, 1], [], []>, transpose_lhs_hint = false} : vector<1250x128xf32>, vector<128x64xf32>, vector<1250x64xf32> -> vector<1250x64xf32>
    %get3A_79 = arith.constant 0 : index
    %get3A_80 = arith.constant 0 : index
    %get3A_81 = vector.load %arg10[%get3A_79, %get3A_80] : memref<1x64xf32, #tpu.memory_space<vmem>>, vector<1x64xf32>
    %add3A_82 = vector.broadcast %get3A_81 : vector<1x64xf32> to vector<1250x64xf32>
    %add3A_83 = arith.addf %dot_general3A_78, %add3A_82 : vector<1250x64xf32>
    %swap3A_84 = arith.constant 0 : index
    %swap3A_85 = arith.constant 0 : index
    %swap3A_86 = vector.load %arg13[%swap3A_84, %swap3A_85] : memref<1250x64xf32, #tpu.memory_space<vmem>>, vector<1250x64xf32>
    tpu.vector_store %arg13[%swap3A_84, %swap3A_85], %add3A_83 {strides = array<i32>} : memref<1250x64xf32, #tpu.memory_space<vmem>>, vector<1250x64xf32>,
    %get3A_87 = arith.constant 0 : index
    %get3A_88 = arith.constant 0 : index
    %get3A_89 = vector.load %arg11[%get3A_87, %get3A_88] : memref<128x1024xf32, #tpu.memory_space<vmem>>, vector<128x1024xf32>
    %dot_general3A_90 = arith.constant dense<0.000000e+00> : vector<1250x1024xf32>
    %dot_general3A_91 = tpu.matmul %mul3A_68, %get3A_89, %dot_general3A_90 {dimension_numbers = #tpu.dot_dimension_numbers<[1], [0], [0], [1], [0, 0, 1, 1], [], []>, transpose_lhs_hint = false} : vector<1250x128xf32>, vector<128x1024xf32>, vector<1250x1024xf32> -> vector<1250x1024xf32>
    %get3A_92 = arith.constant 0 : index
    %get3A_93 = arith.constant 0 : index
    %get3A_94 = vector.load %arg12[%get3A_92, %get3A_93] : memref<1x1024xf32, #tpu.memory_space<vmem>>, vector<1x1024xf32>
    %add3A_95 = vector.broadcast %get3A_94 : vector<1x1024xf32> to vector<1250x1024xf32>
    %add3A_96 = arith.addf %dot_general3A_91, %add3A_95 : vector<1250x1024xf32>
    %tanh3A_97 = math.tanh %add3A_96 : vector<1250x1024xf32>
    %swap3A_98 = arith.constant 0 : index
    %swap3A_99 = arith.constant 0 : index
    %swap3A_100 = vector.load %arg14[%swap3A_98, %swap3A_99] : memref<1250x1024xf32, #tpu.memory_space<vmem>>, vector<1250x1024xf32>
    tpu.vector_store %arg14[%swap3A_98, %swap3A_99], %tanh3A_97 {strides = array<i32>} : memref<1250x1024xf32, #tpu.memory_space<vmem>>, vector<1250x1024xf32>,
    return
  }
}

</mosaic_0001>

<sc_bundles>
// kernel: kernel.5.cloned.1.call-start
scs
__scs_entry_jumppad:
0x0: {  	(pc) =	sbr.rel $0x88, $3  }
0x1: {  	(tag) =	ssettag $0x0;
	lr =	simm.s32 $0x1  }
0x2: {  	[smem:$0x3F91] =	sst lr;
	_ =	strace $0xD0000000  }
0x3: {  	_ = 	snop  }
0x4: {  	_ = 	snop  }
0x5: {  	_ = 	snop  }
0x6: {  	_ = 	snop  }
0x7: {  	_ = 	snop  }
__scs_overlays_trampoline_lowered:
0x8: {  	[smem:$0x3FA0] =	sst s0  }
0x9: {  	[smem:$0x3FA1] =	sst s1  }
0xa: {  	[smem:$0x3FA2] =	sst s2  }
0xb: {  	[smem:$0x3FA3] =	sst s3  }
0xc: {  	[smem:$0x3FA4] =	sst s4  }
0xd: {  	[smem:$0x3FA5] =	sst s5  }
0xe: {  	[smem:$0x3FA6] =	sst s6  }
0xf: {  	[smem:$0x3FA7] =	sst s7  }
0x10: {  	[smem:$0x3FA8] =	sst s8  }
0x11: {  	[smem:$0x3FA9] =	sst s9;
	s0 =	simm.s32 @!p0 $0x0  }
0x12: {  	s1 =	sld [smem:$0x3F8F];
	s0 =	simm.s32 @p0 $0x1  }
0x13: {  	[smem:$0x3FAA] =	sst s0;
	s0 =	simm.s32 @!p1 $0x0  }
0x14: {  	s2 =	sld [smem:$0x3F8E];
	s0 =	simm.s32 @p1 $0x1  }
0x15: {  	[smem:$0x3FAB] =	sst s0;
	s0 =	simm.s32 @!p2 $0x0  }
0x16: {  	s3 =	sld [smem:$0x3FDB];
	s0 =	simm.s32 @p2 $0x1  }
0x17: {  	s4 =	simm.s32 $0x1BF5;
	[smem:$0x3FAD] =	sst s0  }
0x18: {  	s0 =	sld [smem:$0x3F90];
	_ =	swait.ge [sflag:s4], $0x0  }
0x19: {  	s7 =	sld [smem:$0x3F91]  }
0x1a: {  	s8 =	sadd.s32 $0xFFFFE003, lr  }
0x1b: {  	s9 =	sadd.s32 $0xFFFFFEF7, lr;
	s5 =	simm.s32 $0xFFFFFFFF;
	p2 =	slt.u32 s8, $0xFFFFF086  }
0x1c: {  	p1 =	slt.u32 s9, $0xF7A;
	s5 =	simm.s32 @!p2 $0x0  }
0x1d: {  	s5 =	simm.s32 @p1 $0x1;
	p0 =	seq.s32 s7, s2  }
0x1e: {  	s7 =	smul.u32 @!p0 $0xF7A, s2;
	p2 =	seq.s32 @!p0 s5, $0x0  }
0x1f: {  	s9 =	smul.u32 $0xF7A, s1;
	s8 =	simm.s32 @!p0 $0x1BF5;
	p2 =	por !p2, p0  }
0x20: {  	[sflag:s8] =	ssyncset.s32 @!p0 $0xFFFFF086;
	s6 =	sadd.s32 @!p0 s3, s7;
	s7 =	simm.s32 @!p0 $0x108  }
0x21: {  	s3 =	sadd.s32 s3, s9;
	s6 =	sadd.s32 @!p0 $0x88, s6;
	s7 =	simm.s32 @p2 $0x1082  }
0x22: {  	[simem:s7], [sflag:s8] =	dma.local @!p0 [hbm:s6], $0xF7A  }
0x23: {  	s9 =	sor.u32 $0xD0000000, s2;
	s6 =	simm.s32 $0x108;
	_ =	swait.ge @!p0 [sflag:s8], $0x0  }
0x24: {  	s3 =	sadd.s32 $0x88, s3;
	s6 =	simm.s32 @!p1 $0x1082;
	[sflag:s4] =	ssyncset.s32 $0xFFFFF086  }
0x25: {  	[simem:s6], [sflag:s4] =	dma.local [hbm:s3], $0xF7A  }
0x26: {  	[smem:$0x3F91] =	sst s1;
	(tag) =	ssettag s2;
	_ =	strace s9  }
0x27: {  	s1 =	sld [smem:$0x3FA1]  }
0x28: {  	s2 =	sld [smem:$0x3FA2]  }
0x29: {  	s4 =	sld [smem:$0x3FA4]  }
0x2a: {  	p0 =	seq.s32 s5, $0x0;
	s5 =	sld [smem:$0x3FA5]  }
0x2b: {  	s6 =	sld [smem:$0x3FA6]  }
0x2c: {  	s7 =	sld [smem:$0x3FA7]  }
0x2d: {  	s3 =	simm.s32 $0x108;
	s8 =	sld [smem:$0x3FA8]  }
0x2e: {  	s3 =	simm.s32 @!p0 $0x1082;
	s9 =	sld [smem:$0x3FA9]  }
0x2f: {  	lr =	sadd.s32 s0, s3;
	s0 =	sld [smem:$0x3FA0]  }
0x30: {  	s3 =	sld [smem:$0x3FA3]  }
0x31: {  	[smem:$0x3FAC] =	sst s10  }
0x32: {  	s10 =	sld [smem:$0x3FAA];
	_ =	sdelay $0x3  }
0x33: {  	p0 =	seq.s32 s10, $0x1;
	s10 =	sld [smem:$0x3FAC];
	_ =	sdelay $0x3  }
0x34: {  	[smem:$0x3FAC] =	sst s10  }
0x35: {  	s10 =	sld [smem:$0x3FAB];
	_ =	sdelay $0x3  }
0x36: {  	p1 =	seq.s32 s10, $0x1;
	s10 =	sld [smem:$0x3FAC];
	_ =	sdelay $0x3  }
0x37: {  	[smem:$0x3FAC] =	sst s10  }
0x38: {  	s10 =	sld [smem:$0x3FAD]  }
0x39: {  	_ = 	snop;
	(pc) =	sbr.ind lr, $3  }
0x3a: {  	_ = 	snop  }
0x3b: {  	_ = 	snop  }
0x3c: {  	p2 =	seq.s32 s10, $0x1;
	s10 =	sld [smem:$0x3FAC]  }
0x3d: {  	_ =	shalt  }
0x3e: {  	_ =	shalt  }
0x3f: {  	_ =	shalt  }
0x40: {  	_ =	shalt  }
0x41: {  	_ =	shalt  }
0x42: {  	_ =	shalt  }
0x43: {  	_ =	shalt  }
0x44: {  	_ =	shalt  }
0x45: {  	_ =	shalt  }
0x46: {  	_ =	shalt  }
0x47: {  	_ =	shalt  }
0x48: {  	_ =	shalt  }
0x49: {  	_ =	shalt  }
0x4a: {  	_ =	shalt  }
0x4b: {  	_ =	shalt  }
0x4c: {  	_ =	shalt  }
0x4d: {  	_ =	shalt  }
0x4e: {  	_ =	shalt  }
0x4f: {  	_ =	shalt  }
0x50: {  	_ =	shalt  }
0x51: {  	_ =	shalt  }
0x52: {  	_ =	shalt  }
0x53: {  	_ =	shalt  }
0x54: {  	_ =	shalt  }
0x55: {  	_ =	shalt  }
0x56: {  	_ =	shalt  }
0x57: {  	_ =	shalt  }
0x58: {  	_ =	shalt  }
0x59: {  	_ =	shalt  }
0x5a: {  	_ =	shalt  }
0x5b: {  	_ =	shalt  }
0x5c: {  	_ =	shalt  }
0x5d: {  	_ =	shalt  }
0x5e: {  	_ =	shalt  }
0x5f: {  	_ =	shalt  }
0x60: {  	_ =	shalt  }
0x61: {  	_ =	shalt  }
0x62: {  	_ =	shalt  }
0x63: {  	_ =	shalt  }
0x64: {  	_ =	shalt  }
0x65: {  	_ =	shalt  }
0x66: {  	_ =	shalt  }
0x67: {  	_ =	shalt  }
0x68: {  	_ =	shalt  }
0x69: {  	_ =	shalt  }
0x6a: {  	_ =	shalt  }
0x6b: {  	_ =	shalt  }
0x6c: {  	_ =	shalt  }
0x6d: {  	_ =	shalt  }
0x6e: {  	_ =	shalt  }
0x6f: {  	_ =	shalt  }
0x70: {  	_ =	shalt  }
0x71: {  	_ =	shalt  }
0x72: {  	_ =	shalt  }
0x73: {  	_ =	shalt  }
0x74: {  	_ =	shalt  }
0x75: {  	_ =	shalt  }
0x76: {  	_ =	shalt  }
0x77: {  	_ =	shalt  }
0x78: {  	_ =	shalt  }
0x79: {  	_ =	shalt  }
0x7a: {  	_ =	shalt  }
0x7b: {  	_ =	shalt  }
0x7c: {  	_ =	shalt  }
0x7d: {  	_ =	shalt  }
0x7e: {  	_ =	shalt  }
0x7f: {  	_ =	shalt  }
0x80: {  	_ =	shalt  }
0x81: {  	_ =	shalt  }
0x82: {  	_ =	shalt  }
0x83: {  	_ =	shalt  }
0x84: {  	_ =	shalt  }
0x85: {  	_ =	shalt  }
0x86: {  	_ =	shalt  }
0x87: {  	_ =	shalt  }
.Lfunc_end0:
.L_simem_size_0:
called_computation_lowered:
.L_overlay_start_0:
0x88: {  	s2 =	sld [smem:$0x3FD9]  }
0x89: {  	s3 =	sld [smem:$0x3FFE];
	_ =	sdelay $0x1  }
0x8a: {  	s1 =	srdreg.scid  }
0x8b: {  	s0 =	sand.u32 $0x1, s1  }
0x8c: {  	s14 =	sshll.u32 s0, $0xA;
	s2 =	sadd.s32 s3, s2  }
0x8d: {  	s2 =	sadd.s32 s2, s14  }
0x8e: {  	[smem:$0x3FB8] =	sst s2  }
0x8f: {  	_ = 	snop  }
0x90: {  	s2 =	sld [smem:$0x3FD0];
	_ =	sdelay $0x2  }
0x91: {  	s15 =	simm.s32 $0xA;
	s4 =	simm.s32 $0x10  }
0x92: {  	[smem:s4], [sflag:s15] =	dma.local [hbm:s2], $0x1  }
0x93: {  	_ =	swait.eq [sflag:s15], $0x1  }
0x94: {  	[sflag:s15] =	ssyncset.done $0x0  }
0x95: {  	[sflag:s15] =	ssyncadd.s32 $0xFFFFFFFF  }
0x96: {  	s16 =	sld [smem:$0x11];
	(tm) =	ssettm $0x1  }
0x97: {  	s17 =	sld [smem:$0x3FFB];
	_ =	sdelay $0x3  }
0x98: {  	_ =	strace s17  }
0x99: {  	s3 =	sld [smem:$0x3FFC];
	_ =	sdelay $0x3  }
0x9a: {  	_ =	strace s3  }
0x9b: {  	s3 =	sld [smem:$0x3FFD];
	_ =	sdelay $0x3  }
0x9c: {  	_ =	strace s3  }
0x9d: {  	_ =	strace $0x8FFFFFFF  }
0x9e: {  	s18 =	sld [smem:$0x3FDB];
	_ =	sdelay $0x1  }
0x9f: {  	s19 =	simm.s32 $_scs_section_size  }
0xa0: {  	s5 =	simm.s32 $_size__tile_overlayer_lowered;
	s6 =	simm.s32 $_tile_overlayer_lowered  }
0xa1: {  	s22 =	simm.s32 $0x1BFF;
	s21 =	sshll.u32 s6, $0x1;
	s3 =	sadd.s32 s19, s18  }
0xa2: {  	s7 =	simm.s32 $0x0;
	s20 =	sshll.u32 s5, $0x1;
	s5 =	sadd.s32 s21, s3  }
0xa3: {  	[timem:s7], [sflag:s22] =	dma.local [hbm:s5], s20  }
0xa4: {  	_ =	swait.ge [sflag:s22], s20  }
0xa5: {  	s4 =	ssub.s32 $0x0, s20;
	[sflag:s22] =	ssyncset.done $0x0  }
0xa6: {  	[sflag:s22] =	ssyncadd.s32 s4;
	_ =	sdelay $0x1  }
0xa7: {  	s23 =	simm.s32 $0x1B8B  }
0xa8: {  	_ =	swait.ge [sflag:s23], $0x1  }
0xa9: {  	[sflag:s23] =	ssyncset.done $0x0  }
0xaa: {  	s25 =	simm.s32 $0x1B8E;
	s24 =	sld [smem:$0x3FFE];
	[sflag:s23] =	ssyncadd.s32 $0xFFFFFFFF  }
0xab: {  	s26 =	simm.s32 $execute0_lowered;
	[smem:$0x3FD2] =	sst s25  }
0xac: {  	s5 =	sshll.u32 s26, $0x1;
	_ =	strace $0x80000046;
	[dreg:$0x1] =	wrdreg $0xFFFFFFFF  }
0xad: {  	s28 =	simm.s32 $_size_execute0_lowered;
	s3 =	sadd.s32 s3, s5;
	[dreg:$0x0] =	wrdreg $0x0  }
0xae: {  	s5 =	sshll.u32 s28, $0x1;
	[dreg:$0x2] =	wrdreg s3  }
0xaf: {  	[dreg:$0x3] =	wrdreg s5  }
0xb0: {  	[dreg:$0x4] =	wrdreg $0xC0  }
0xb1: {  	_ =	task [dreg:s7], $0x5FFFF  }
0xb2: {  	[dreg:$0x1] =	wrdreg $0xFFFFFFFF  }
0xb3: {  	[dreg:$0x0] =	wrdreg $0x60  }
0xb4: {  	[dreg:$0x2] =	wrdreg s24  }
0xb5: {  	[dreg:$0x3] =	wrdreg s16  }
0xb6: {  	[dreg:$0x4] =	wrdreg $0xC5A00  }
0xb7: {  	[dreg:$0x5] =	wrdreg $0x9  }
0xb8: {  	_ =	task.clear_ibuf [dreg:s7], $0x6FFFF;
	_ =	strace $0x90000046  }
0xb9: {  	s29 =	simm.s32 $0x9;
	_ =	strace $0x80000048  }
0xba: {  	_ =	swait.ge [sflag:s29], $0x1  }
0xbb: {  	[sflag:s29] =	ssyncadd.s32 $0xFFFFFFFF  }
0xbc: {  	_ =	strace $0x90000048  }
0xbd: {  	_ =	sfence  }
0xbe: {  	s30 =	sld [smem:$0x0];
	_ =	sdelay $0x2  }
0xbf: {  	s31 =	sshll.u32 s1, $0xD;
	s1 =	sshrl.u32 s1, $0x2  }
0xc0: {  	s3 =	sand.u32 $0x4000, s31;
	s1 =	sadd.s32 s1, s30  }
0xc1: {  	s0 =	sor.u32 s3, s0;
	s1 =	sshll.u32 s1, $0x11  }
0xc2: {  	s0 =	sor.u32 s1, s0  }
0xc3: {  	s0 =	sadd.s32 $0x8F2B, s0  }
0xc4: {  	[sflag:s0] =	ssyncadd.remote.s32 $0x1  }
0xc5: {  	_ =	sfence.sel $0xFFFF  }
0xc6: {  	[dreg:$0x0] =	wrdreg $0xFFFFFFFF;
	(pc) =	sbr.abs _section_cstart, $3  }
0xc7: {  	[dreg:$0x1] =	wrdreg $0xFFFFFFFF  }
0xc8: {  	_ =	task.clear_ibuf [dreg:s7], $0x2FFFF;
	_ =	strace $0x9FFFFFFF  }
0xc9: {  	(tm) =	ssettm $0x7FFFFFFF  }
tec
execute0_lowered:
.L_overlay_start_1:
0x0: {  	(tag) =	ssettag $0x1  }
0x1: {  	s0 =	rddreg [dreg:$0x0]  }
0x2: {  	s2 =	rddreg [dreg:$0x1]  }
0x3: {  	s1 =	rddreg [dreg:$0x2];
	s3 =	srdreg.scid  }
0x4: {  	s4 =	simm.s32 $0x0;
	s11 =	stileid.u32;
	s22 =	simm.s32 $0x15  }
0x5: {  	s13 =	simm.s32 $0x7D;
	s30 =	simm.s32 $0x1;
	s17 =	simm.s32 $0x6  }
0x6: {  	s28 =	simm.s32 $0x7;
	s14 =	simm.s32 $0x12;
	s16 =	simm.s32 $0x13  }
0x7: {  	s19 =	simm.s32 $0x14;
	s31 =	simm.s32 $0x7;
	s3 =	sand.u32 $0x1, s3  }
0x8: {  	[smem:$0x7FF] =	sst s4;
	s6 =	sshll.u32 s11, $0x1;
	s7 =	smul.u32 $0x3E80, s11  }
0x9: {  	s4 =	sadd.s32 $0x9EE00, s0;
	s9 =	smul.u32 $0x9E00, s11;
	p0 =	sgt.u32 s11, $0x9  }
0xa: {  	s11 =	simm.s32 $0x8;
	s5 =	smul.u32 $0x27100, s3;
	s6 =	sor.u32 s3, s6  }
0xb: {  	_ =	strace $0x80000047;
	s3 =	ssub.s32 $0x2, s3;
	s6 =	smul.u32 $0x500, s6  }
0xc: {  	s8 =	sshrl.u32 s3, $0x1;
	s26 =	sshrl.u32 s9, $0x2;
	s9 =	simm.s32 $0xF  }
0xd: {  	s5 =	sadd.s32 s7, s5;
	s3 =	ssub.s32 s3, s8;
	s8 =	simm.s32 $0xE  }
0xe: {  	s5 =	sshrl.u32 s5, $0x3;
	s10 =	sadd.s32 s6, s0;
	s2 =	sadd.s32 s2, s6  }
0xf: {  	s29 =	smax.u32 s3, $0x1;
	s3 =	simm.s32 $0xA;
	[dreg:$0x4] =	wrdreg s2  }
0x10: {  	s6 =	simm.s32 $0xC;
	s25 =	sadd.s32 $0x2A00, s10;
	[dreg:$0x8] =	wrdreg s29  }
0x11: {  	s0 =	sadd.s32 s5, s0;
	s2 =	sadd.s32 s26, s1;
	[dreg:$0x5] =	wrdreg s25  }
0x12: {  	s5 =	simm.s32 $0xB;
	[dreg:$0x6] =	wrdreg s2;
	s0 =	sadd.s32 $0xCA00, s0  }
0x13: {  	s10 =	simm.s32 $0x11;
	[dreg:$0x7] =	wrdreg s0;
	s0 =	sadd.s32 s7, s1  }
0x14: {  	s2 =	simm.s32 $0x9;
	s25 =	simm.s32 $0x10;
	s0 =	sshrl.u32 @!p0 s0, $0x3  }
0x15: {  	v0 =	vimm.f32 $0.0e+00;
	s7 =	simm.s32 $0xD;
	[dreg:$0x9] =	wrdreg s0;
	s0 =	simm.s32 $0x0  }
.LBB2_1:
0x16: {  	[dreg:$0xa] =	wrdreg s0  }
0x17: {  	s26 =	simm.s32 $0x0;
	s20 =	rddreg [dreg:$0x4]  }
0x18: {  	[tilespmem:s26], [sflag:$0x15] =	stream.linear.gather [hbm4b:s20+s26], $0x2800, $0x38;
	[tilespmem:$0xED20] =	vst v63  }
0x19: {  	_ =	swait.ge [sflag:s22], $0x2800  }
0x1a: {  	[sflag:s22] =	ssyncset.done $0x0  }
0x1b: {  	s18 =	simm.s32 $0x2800;
	s29 =	rddreg [dreg:$0x5];
	[sflag:s22] =	ssyncadd.s32 $0xFFFFD800  }
0x1c: {  	[tilespmem:s18], [sflag:$0x15] =	stream.linear.gather [hbm4b:s29+s26], $0x2800, $0x38;
	[tilespmem:$0xED20] =	vst v63  }
0x1d: {  	_ =	swait.ge [sflag:s22], $0x2800  }
0x1e: {  	[sflag:s22] =	ssyncset.done $0x0  }
0x1f: {  	s20 =	simm.s32 $0x0;
	s18 =	simm.s32 $0x40;
	[sflag:s22] =	ssyncadd.s32 $0xFFFFD800  }
.LBB2_2:
0x20: {  	p1 =	sne.s32 s18, $0x9DC0;
	[tilespmem:s20+$0x9E20] =	vst v0;
	s20 =	smov.u32 s18;
	s18 =	sadd.s32 $0x40, s18  }
.Ltmp0:
0x21: {  	(pc) =	sbr.rel @p1 .LBB2_2-.Ltmp0, $2  }
0x22: {  	_ =	sdelay $0x2  }
0x23: {  	s20 =	sshra.s32 s20, $0x2  }
0x24: {  	[tilespmem:s20+$0x9E20] =	vst v0;
	s18 =	rddreg [dreg:$0x6];
	s0 =	simm.s32 $0x9E20  }
0x25: {  	[spmem:s18] =	stream.linear.scatter [tilespmem:s0], [sflag:$0x15], $0x2780, $0x38;
	[tilespmem:$0xED20] =	vst v63  }
0x26: {  	_ =	swait.ge [sflag:s22], $0x2780  }
0x27: {  	[sflag:s22] =	ssyncset.done $0x0  }
0x28: {  	[sflag:s22] =	ssyncadd.s32 $0xFFFFD880  }
0x29: {  	s12 =	simm.s32 $0x0;
	s26 =	simm.s32 $0x5000;
	[bflag:$0x0] =	sbarrier.arrive $0xFFFF  }
0x2a: {  	[tilespmem:s26], [sflag:$0x1] =	stream.indirect.gather [hbm4b:s4+s13], $0x10, s12, s13, $0xb8;
	[tilespmem:$0xED20] =	vst v63  }
0x2b: {  	s15 =	simm.s32 $0x80;
	s23 =	simm.s32 $0x57D0  }
0x2c: {  	[tilespmem:s23], [sflag:$0x2] =	stream.indirect.gather [hbm4b:s4+s13], $0x10, s15, s13, $0xb8;
	[tilespmem:$0xED20] =	vst v63  }
0x2d: {  	s20 =	simm.s32 $0x100;
	s21 =	simm.s32 $0x5FA0  }
0x2e: {  	[tilespmem:s21], [sflag:$0x3] =	stream.indirect.gather [hbm4b:s4+s13], $0x10, s20, s13, $0xb8;
	[tilespmem:$0xED20] =	vst v63  }
0x2f: {  	s29 =	simm.s32 $0x6770;
	s22 =	simm.s32 $0x180  }
0x30: {  	[tilespmem:s29], [sflag:$0x4] =	stream.indirect.gather [hbm4b:s4+s13], $0x10, s22, s13, $0xb8;
	[tilespmem:$0xED20] =	vst v63  }
0x31: {  	s24 =	simm.s32 $0x200;
	s15 =	simm.s32 $0x6F40  }
0x32: {  	[tilespmem:s15], [sflag:$0x5] =	stream.indirect.gather [hbm4b:s4+s13], $0x10, s24, s13, $0xb8;
	[tilespmem:$0xED20] =	vst v63  }
0x33: {  	s0 =	simm.s32 $0x280;
	s24 =	simm.s32 $0x7710  }
0x34: {  	[tilespmem:s24], [sflag:$0x6] =	stream.indirect.gather [hbm4b:s4+s13], $0x10, s0, s13, $0xb8;
	[tilespmem:$0xED20] =	vst v63  }
0x35: {  	s12 =	simm.s32 $0x300;
	s22 =	simm.s32 $0x7EE0  }
0x36: {  	[tilespmem:s22], [sflag:$0x7] =	stream.indirect.gather [hbm4b:s4+s13], $0x10, s12, s13, $0xb8;
	[tilespmem:$0xED20] =	vst v63  }
0x37: {  	s20 =	simm.s32 $0x380;
	s0 =	simm.s32 $0x86B0  }
0x38: {  	[tilespmem:s0], [sflag:$0x8] =	stream.indirect.gather [hbm4b:s4+s13], $0x10, s20, s13, $0xb8;
	[tilespmem:$0xED20] =	vst v63  }
0x39: {  	s12 =	simm.s32 $0x400;
	s20 =	simm.s32 $0x8E80  }
0x3a: {  	[tilespmem:s20], [sflag:$0x9] =	stream.indirect.gather [hbm4b:s4+s13], $0x10, s12, s13, $0xb8;
	[tilespmem:$0xED20] =	vst v63  }
0x3b: {  	s18 =	simm.s32 $0x480;
	s12 =	simm.s32 $0x9650  }
0x3c: {  	[tilespmem:s12], [sflag:$0xA] =	stream.indirect.gather [hbm4b:s4+s13], $0x10, s18, s13, $0xb8;
	[tilespmem:$0xED20] =	vst v63  }
0x3d: {  	_ =	swait.ge [sflag:s30], $0x7D0  }
0x3e: {  	[sflag:s30] =	ssyncset.done $0x0  }
0x3f: {  	s18 =	simm.s32 $0x2800;
	[sflag:s30] =	ssyncadd.s32 $0xFFFFF830  }
0x40: {  	[spmem:s1] =	stream.indirect.scatter.add.f32 [tilespmem:s26], [sflag:$0xB], $0x10, s18, s13, $0xb8;
	[tilespmem:$0xED20] =	vst v63  }
0x41: {  	s18 =	simm.s32 $0x2  }
0x42: {  	_ =	swait.ge [sflag:s18], $0x7D0  }
0x43: {  	[sflag:s18] =	ssyncset.done $0x0  }
0x44: {  	[sflag:s18] =	ssyncadd.s32 $0xFFFFF830;
	s18 =	simm.s32 $0x2880  }
0x45: {  	[spmem:s1] =	stream.indirect.scatter.add.f32 [tilespmem:s23], [sflag:$0xC], $0x10, s18, s13, $0xb8;
	[tilespmem:$0xED20] =	vst v63  }
0x46: {  	s18 =	simm.s32 $0x3  }
0x47: {  	_ =	swait.ge [sflag:s18], $0x7D0  }
0x48: {  	[sflag:s18] =	ssyncset.done $0x0  }
0x49: {  	[sflag:s18] =	ssyncadd.s32 $0xFFFFF830;
	s18 =	simm.s32 $0x2900  }
0x4a: {  	[spmem:s1] =	stream.indirect.scatter.add.f32 [tilespmem:s21], [sflag:$0xD], $0x10, s18, s13, $0xb8;
	[tilespmem:$0xED20] =	vst v63  }
0x4b: {  	s18 =	simm.s32 $0x4  }
0x4c: {  	_ =	swait.ge [sflag:s18], $0x7D0  }
0x4d: {  	[sflag:s18] =	ssyncset.done $0x0  }
0x4e: {  	[sflag:s18] =	ssyncadd.s32 $0xFFFFF830;
	s18 =	simm.s32 $0x2980  }
0x4f: {  	[spmem:s1] =	stream.indirect.scatter.add.f32 [tilespmem:s29], [sflag:$0xE], $0x10, s18, s13, $0xb8;
	[tilespmem:$0xED20] =	vst v63  }
0x50: {  	s18 =	simm.s32 $0x5  }
0x51: {  	_ =	swait.ge [sflag:s18], $0x7D0  }
0x52: {  	[sflag:s18] =	ssyncset.done $0x0  }
0x53: {  	[sflag:s18] =	ssyncadd.s32 $0xFFFFF830;
	s18 =	simm.s32 $0x2A00  }
0x54: {  	[spmem:s1] =	stream.indirect.scatter.add.f32 [tilespmem:s15], [sflag:$0xF], $0x10, s18, s13, $0xb8;
	[tilespmem:$0xED20] =	vst v63  }
0x55: {  	_ =	swait.ge [sflag:s17], $0x7D0  }
0x56: {  	[sflag:s17] =	ssyncset.done $0x0  }
0x57: {  	[sflag:s17] =	ssyncadd.s32 $0xFFFFF830;
	s17 =	simm.s32 $0x2A80  }
0x58: {  	[spmem:s1] =	stream.indirect.scatter.add.f32 [tilespmem:s24], [sflag:$0x10], $0x10, s17, s13, $0xb8;
	[tilespmem:$0xED20] =	vst v63  }
0x59: {  	_ =	swait.ge [sflag:s28], $0x7D0  }
0x5a: {  	[sflag:s28] =	ssyncset.done $0x0  }
0x5b: {  	s17 =	simm.s32 $0x2B00;
	[sflag:s28] =	ssyncadd.s32 $0xFFFFF830  }
0x5c: {  	[spmem:s1] =	stream.indirect.scatter.add.f32 [tilespmem:s22], [sflag:$0x11], $0x10, s17, s13, $0xb8;
	[tilespmem:$0xED20] =	vst v63  }
0x5d: {  	_ =	swait.ge [sflag:s11], $0x7D0  }
0x5e: {  	[sflag:s11] =	ssyncset.done $0x0  }
0x5f: {  	s28 =	simm.s32 $0x2B80;
	[sflag:s11] =	ssyncadd.s32 $0xFFFFF830  }
0x60: {  	[spmem:s1] =	stream.indirect.scatter.add.f32 [tilespmem:s0], [sflag:$0x12], $0x10, s28, s13, $0xb8;
	[tilespmem:$0xED20] =	vst v63  }
0x61: {  	_ =	swait.ge [sflag:s2], $0x7D0  }
0x62: {  	[sflag:s2] =	ssyncset.done $0x0  }
0x63: {  	[sflag:s2] =	ssyncadd.s32 $0xFFFFF830;
	s2 =	simm.s32 $0x2C00  }
0x64: {  	[spmem:s1] =	stream.indirect.scatter.add.f32 [tilespmem:s20], [sflag:$0x13], $0x10, s2, s13, $0xb8;
	[tilespmem:$0xED20] =	vst v63  }
0x65: {  	_ =	swait.ge [sflag:s3], $0x7D0  }
0x66: {  	[sflag:s3] =	ssyncset.done $0x0  }
0x67: {  	[sflag:s3] =	ssyncadd.s32 $0xFFFFF830;
	s3 =	simm.s32 $0x2C80  }
0x68: {  	[spmem:s1] =	stream.indirect.scatter.add.f32 [tilespmem:s12], [sflag:$0x14], $0x10, s3, s13, $0xb8;
	[tilespmem:$0xED20] =	vst v63  }
0x69: {  	_ =	swait.ge [sflag:s5], $0x7D0  }
0x6a: {  	[sflag:s5] =	ssyncset.done $0x0  }
0x6b: {  	[sflag:s5] =	ssyncadd.s32 $0xFFFFF830;
	s5 =	simm.s32 $0x500  }
0x6c: {  	[tilespmem:s26], [sflag:$0x1] =	stream.indirect.gather [hbm4b:s4+s13], $0x10, s5, s13, $0xb8;
	[tilespmem:$0xED20] =	vst v63  }
0x6d: {  	_ =	swait.ge [sflag:s6], $0x7D0  }
0x6e: {  	[sflag:s6] =	ssyncset.done $0x0  }
0x6f: {  	s11 =	simm.s32 $0x580;
	[sflag:s6] =	ssyncadd.s32 $0xFFFFF830  }
0x70: {  	[tilespmem:s23], [sflag:$0x2] =	stream.indirect.gather [hbm4b:s4+s13], $0x10, s11, s13, $0xb8;
	[tilespmem:$0xED20] =	vst v63  }
0x71: {  	_ =	swait.ge [sflag:s7], $0x7D0  }
0x72: {  	[sflag:s7] =	ssyncset.done $0x0  }
0x73: {  	s12 =	simm.s32 $0x600;
	[sflag:s7] =	ssyncadd.s32 $0xFFFFF830  }
0x74: {  	[tilespmem:s21], [sflag:$0x3] =	stream.indirect.gather [hbm4b:s4+s13], $0x10, s12, s13, $0xb8;
	[tilespmem:$0xED20] =	vst v63  }
0x75: {  	_ =	swait.ge [sflag:s8], $0x7D0  }
0x76: {  	[sflag:s8] =	ssyncset.done $0x0  }
0x77: {  	s17 =	simm.s32 $0x680;
	[sflag:s8] =	ssyncadd.s32 $0xFFFFF830  }
0x78: {  	[tilespmem:s29], [sflag:$0x4] =	stream.indirect.gather [hbm4b:s4+s13], $0x10, s17, s13, $0xb8;
	[tilespmem:$0xED20] =	vst v63  }
0x79: {  	_ =	swait.ge [sflag:s9], $0x7D0  }
0x7a: {  	[sflag:s9] =	ssyncset.done $0x0  }
0x7b: {  	s21 =	simm.s32 $0x700;
	[sflag:s9] =	ssyncadd.s32 $0xFFFFF830  }
0x7c: {  	[tilespmem:s15], [sflag:$0x5] =	stream.indirect.gather [hbm4b:s4+s13], $0x10, s21, s13, $0xb8;
	[tilespmem:$0xED20] =	vst v63  }
0x7d: {  	_ =	swait.ge [sflag:s25], $0x7D0  }
0x7e: {  	[sflag:s25] =	ssyncset.done $0x0  }
0x7f: {  	s23 =	simm.s32 $0x780;
	[sflag:s25] =	ssyncadd.s32 $0xFFFFF830  }
0x80: {  	[tilespmem:s24], [sflag:$0x6] =	stream.indirect.gather [hbm4b:s4+s13], $0x10, s23, s13, $0xb8;
	[tilespmem:$0xED20] =	vst v63  }
0x81: {  	_ =	swait.ge [sflag:s10], $0x7D0  }
0x82: {  	[sflag:s10] =	ssyncset.done $0x0  }
0x83: {  	s25 =	simm.s32 $0x800;
	[sflag:s10] =	ssyncadd.s32 $0xFFFFF830  }
0x84: {  	[tilespmem:s22], [sflag:$0x7] =	stream.indirect.gather [hbm4b:s4+s13], $0x10, s25, s13, $0xb8;
	[tilespmem:$0xED20] =	vst v63  }
0x85: {  	s18 =	simm.s32 $0x1400;
	_ =	swait.ge [sflag:s14], $0x7D0  }
0x86: {  	s28 =	simm.s32 $0x900;
	s2 =	simm.s32 $0x9;
	[sflag:s14] =	ssyncset.done $0x0  }
0x87: {  	s3 =	simm.s32 $0xA;
	s26 =	simm.s32 $0x880;
	[sflag:s14] =	ssyncadd.s32 $0xFFFFF830  }
0x88: {  	[tilespmem:s0], [sflag:$0x8] =	stream.indirect.gather [hbm4b:s4+s13], $0x10, s26, s13, $0xb8;
	[tilespmem:$0xED20] =	vst v63  }
0x89: {  	s5 =	simm.s32 $0xB;
	s6 =	simm.s32 $0xC;
	_ =	swait.ge [sflag:s16], $0x7D0  }
0x8a: {  	s11 =	simm.s32 $0x8;
	s7 =	simm.s32 $0xD;
	[sflag:s16] =	ssyncset.done $0x0  }
0x8b: {  	s8 =	simm.s32 $0xE;
	s29 =	simm.s32 $0x6;
	[sflag:s16] =	ssyncadd.s32 $0xFFFFF830  }
0x8c: {  	[tilespmem:s20], [sflag:$0x9] =	stream.indirect.gather [hbm4b:s4+s13], $0x10, s28, s13, $0xb8;
	[tilespmem:$0xED20] =	vst v63  }
0x8d: {  	s9 =	simm.s32 $0xF;
	s10 =	simm.s32 $0x11;
	_ =	swait.ge [sflag:s19], $0x7D0  }
0x8e: {  	s25 =	simm.s32 $0x10;
	s14 =	simm.s32 $0x12;
	[sflag:s19] =	ssyncset.done $0x0  }
0x8f: {  	s16 =	simm.s32 $0x13;
	s20 =	simm.s32 $0x980;
	[sflag:s19] =	ssyncadd.s32 $0xFFFFF830  }
.LBB2_4:
0x90: {  	s12 =	simm.s32 $0x9650  }
0x91: {  	[tilespmem:s12], [sflag:$0xA] =	stream.indirect.gather [hbm4b:s4+s13], $0x10, s20, s13, $0xb8;
	[tilespmem:$0xED20] =	vst v63  }
0x92: {  	s20 =	smov.u32 s18  }
0x93: {  	p1 =	sne.s32 s18, $0x7800;
	s18 =	sadd.s32 $0x1400, s18;
	_ =	swait.ge [sflag:s30], $0x7D0  }
0x94: {  	s26 =	simm.s32 $0x5000;
	s20 =	sshra.s32 s20, $0x2;
	[sflag:s30] =	ssyncset.done $0x0  }
0x95: {  	s0 =	simm.s32 $0x2;
	s22 =	sadd.s32 $0x2800, s20;
	[sflag:s30] =	ssyncadd.s32 $0xFFFFF830  }
0x96: {  	[spmem:s1] =	stream.indirect.scatter.add.f32 [tilespmem:s26], [sflag:$0xB], $0x10, s22, s13, $0xb8;
	[tilespmem:$0xED20] =	vst v63  }
0x97: {  	_ =	swait.ge [sflag:s0], $0x7D0  }
0x98: {  	s23 =	simm.s32 $0x57D0;
	[sflag:s0] =	ssyncset.done $0x0  }
0x99: {  	s22 =	sadd.s32 $0x2880, s20;
	[sflag:s0] =	ssyncadd.s32 $0xFFFFF830;
	s0 =	simm.s32 $0x3  }
0x9a: {  	[spmem:s1] =	stream.indirect.scatter.add.f32 [tilespmem:s23], [sflag:$0xC], $0x10, s22, s13, $0xb8;
	[tilespmem:$0xED20] =	vst v63  }
0x9b: {  	_ =	swait.ge [sflag:s0], $0x7D0  }
0x9c: {  	s21 =	simm.s32 $0x5FA0;
	[sflag:s0] =	ssyncset.done $0x0  }
0x9d: {  	s22 =	sadd.s32 $0x2900, s20;
	[sflag:s0] =	ssyncadd.s32 $0xFFFFF830;
	s0 =	simm.s32 $0x4  }
0x9e: {  	[spmem:s1] =	stream.indirect.scatter.add.f32 [tilespmem:s21], [sflag:$0xD], $0x10, s22, s13, $0xb8;
	[tilespmem:$0xED20] =	vst v63  }
0x9f: {  	_ =	swait.ge [sflag:s0], $0x7D0  }
0xa0: {  	s17 =	simm.s32 $0x6770;
	[sflag:s0] =	ssyncset.done $0x0  }
0xa1: {  	s22 =	sadd.s32 $0x2980, s20;
	[sflag:s0] =	ssyncadd.s32 $0xFFFFF830;
	s0 =	simm.s32 $0x5  }
0xa2: {  	[spmem:s1] =	stream.indirect.scatter.add.f32 [tilespmem:s17], [sflag:$0xE], $0x10, s22, s13, $0xb8;
	[tilespmem:$0xED20] =	vst v63  }
0xa3: {  	_ =	swait.ge [sflag:s0], $0x7D0  }
0xa4: {  	[sflag:s0] =	ssyncset.done $0x0  }
0xa5: {  	s15 =	simm.s32 $0x6F40;
	s22 =	sadd.s32 $0x2A00, s20;
	[sflag:s0] =	ssyncadd.s32 $0xFFFFF830  }
0xa6: {  	[spmem:s1] =	stream.indirect.scatter.add.f32 [tilespmem:s15], [sflag:$0xF], $0x10, s22, s13, $0xb8;
	[tilespmem:$0xED20] =	vst v63  }
0xa7: {  	_ =	swait.ge [sflag:s29], $0x7D0  }
0xa8: {  	[sflag:s29] =	ssyncset.done $0x0  }
0xa9: {  	s24 =	simm.s32 $0x7710;
	s22 =	sadd.s32 $0x2A80, s20;
	[sflag:s29] =	ssyncadd.s32 $0xFFFFF830  }
0xaa: {  	[spmem:s1] =	stream.indirect.scatter.add.f32 [tilespmem:s24], [sflag:$0x10], $0x10, s22, s13, $0xb8;
	[tilespmem:$0xED20] =	vst v63  }
0xab: {  	_ =	swait.ge [sflag:s31], $0x7D0  }
0xac: {  	[sflag:s31] =	ssyncset.done $0x0  }
0xad: {  	s28 =	simm.s32 $0x7EE0;
	s22 =	sadd.s32 $0x2B00, s20;
	[sflag:s31] =	ssyncadd.s32 $0xFFFFF830  }
0xae: {  	[spmem:s1] =	stream.indirect.scatter.add.f32 [tilespmem:s28], [sflag:$0x11], $0x10, s22, s13, $0xb8;
	[tilespmem:$0xED20] =	vst v63  }
0xaf: {  	_ =	swait.ge [sflag:s11], $0x7D0  }
0xb0: {  	[sflag:s11] =	ssyncset.done $0x0  }
0xb1: {  	s30 =	simm.s32 $0x86B0;
	s22 =	sadd.s32 $0x2B80, s20;
	[sflag:s11] =	ssyncadd.s32 $0xFFFFF830  }
0xb2: {  	[spmem:s1] =	stream.indirect.scatter.add.f32 [tilespmem:s30], [sflag:$0x12], $0x10, s22, s13, $0xb8;
	[tilespmem:$0xED20] =	vst v63  }
0xb3: {  	_ =	swait.ge [sflag:s2], $0x7D0  }
0xb4: {  	[sflag:s2] =	ssyncset.done $0x0  }
0xb5: {  	s0 =	simm.s32 $0x8E80;
	s22 =	sadd.s32 $0x2C00, s20;
	[sflag:s2] =	ssyncadd.s32 $0xFFFFF830  }
0xb6: {  	[spmem:s1] =	stream.indirect.scatter.add.f32 [tilespmem:s0], [sflag:$0x13], $0x10, s22, s13, $0xb8;
	[tilespmem:$0xED20] =	vst v63  }
0xb7: {  	_ =	swait.ge [sflag:s3], $0x7D0  }
0xb8: {  	[sflag:s3] =	ssyncset.done $0x0  }
0xb9: {  	s22 =	sadd.s32 $0x2C80, s20;
	[sflag:s3] =	ssyncadd.s32 $0xFFFFF830  }
0xba: {  	[spmem:s1] =	stream.indirect.scatter.add.f32 [tilespmem:s12], [sflag:$0x14], $0x10, s22, s13, $0xb8;
	[tilespmem:$0xED20] =	vst v63  }
0xbb: {  	_ =	swait.ge [sflag:s5], $0x7D0  }
0xbc: {  	[sflag:s5] =	ssyncset.done $0x0  }
0xbd: {  	s19 =	simm.s32 $0x5000;
	s22 =	sadd.s32 $0x500, s20;
	[sflag:s5] =	ssyncadd.s32 $0xFFFFF830  }
0xbe: {  	[tilespmem:s26], [sflag:$0x1] =	stream.indirect.gather [hbm4b:s4+s13], $0x10, s22, s13, $0xb8;
	[tilespmem:$0xED20] =	vst v63  }
0xbf: {  	_ =	swait.ge [sflag:s6], $0x7D0  }
0xc0: {  	[sflag:s6] =	ssyncset.done $0x0  }
0xc1: {  	s22 =	sadd.s32 $0x580, s20;
	s26 =	simm.s32 $0x57D0;
	[sflag:s6] =	ssyncadd.s32 $0xFFFFF830  }
0xc2: {  	[tilespmem:s23], [sflag:$0x2] =	stream.indirect.gather [hbm4b:s4+s13], $0x10, s22, s13, $0xb8;
	[tilespmem:$0xED20] =	vst v63  }
0xc3: {  	_ =	swait.ge [sflag:s7], $0x7D0  }
0xc4: {  	[sflag:s7] =	ssyncset.done $0x0  }
0xc5: {  	s22 =	sadd.s32 $0x600, s20;
	s23 =	simm.s32 $0x5FA0;
	[sflag:s7] =	ssyncadd.s32 $0xFFFFF830  }
0xc6: {  	[tilespmem:s21], [sflag:$0x3] =	stream.indirect.gather [hbm4b:s4+s13], $0x10, s22, s13, $0xb8;
	[tilespmem:$0xED20] =	vst v63  }
0xc7: {  	_ =	swait.ge [sflag:s8], $0x7D0  }
0xc8: {  	[sflag:s8] =	ssyncset.done $0x0  }
0xc9: {  	s22 =	sadd.s32 $0x680, s20;
	s21 =	simm.s32 $0x6770;
	[sflag:s8] =	ssyncadd.s32 $0xFFFFF830  }
0xca: {  	[tilespmem:s17], [sflag:$0x4] =	stream.indirect.gather [hbm4b:s4+s13], $0x10, s22, s13, $0xb8;
	[tilespmem:$0xED20] =	vst v63  }
0xcb: {  	_ =	swait.ge [sflag:s9], $0x7D0  }
0xcc: {  	[sflag:s9] =	ssyncset.done $0x0  }
0xcd: {  	s22 =	sadd.s32 $0x700, s20;
	s17 =	simm.s32 $0x6F40;
	[sflag:s9] =	ssyncadd.s32 $0xFFFFF830  }
0xce: {  	[tilespmem:s15], [sflag:$0x5] =	stream.indirect.gather [hbm4b:s4+s13], $0x10, s22, s13, $0xb8;
	[tilespmem:$0xED20] =	vst v63  }
0xcf: {  	_ =	swait.ge [sflag:s25], $0x7D0  }
0xd0: {  	[sflag:s25] =	ssyncset.done $0x0  }
0xd1: {  	s22 =	sadd.s32 $0x780, s20;
	s15 =	simm.s32 $0x7710;
	[sflag:s25] =	ssyncadd.s32 $0xFFFFF830  }
0xd2: {  	[tilespmem:s24], [sflag:$0x6] =	stream.indirect.gather [hbm4b:s4+s13], $0x10, s22, s13, $0xb8;
	[tilespmem:$0xED20] =	vst v63  }
0xd3: {  	_ =	swait.ge [sflag:s10], $0x7D0  }
0xd4: {  	[sflag:s10] =	ssyncset.done $0x0  }
0xd5: {  	s22 =	sadd.s32 $0x800, s20;
	s24 =	simm.s32 $0x7EE0;
	[sflag:s10] =	ssyncadd.s32 $0xFFFFF830  }
0xd6: {  	[tilespmem:s28], [sflag:$0x7] =	stream.indirect.gather [hbm4b:s4+s13], $0x10, s22, s13, $0xb8;
	[tilespmem:$0xED20] =	vst v63  }
0xd7: {  	_ =	swait.ge [sflag:s14], $0x7D0  }
0xd8: {  	[sflag:s14] =	ssyncset.done $0x0  }
0xd9: {  	s22 =	sadd.s32 $0x880, s20;
	[sflag:s14] =	ssyncadd.s32 $0xFFFFF830  }
0xda: {  	[tilespmem:s30], [sflag:$0x8] =	stream.indirect.gather [hbm4b:s4+s13], $0x10, s22, s13, $0xb8;
	[tilespmem:$0xED20] =	vst v63  }
0xdb: {  	s28 =	simm.s32 $0x86B0;
	s30 =	simm.s32 $0x1  }
0xdc: {  	_ =	swait.ge [sflag:s16], $0x7D0  }
0xdd: {  	[sflag:s16] =	ssyncset.done $0x0  }
0xde: {  	s22 =	sadd.s32 $0x900, s20;
	[sflag:s16] =	ssyncadd.s32 $0xFFFFF830  }
0xdf: {  	[tilespmem:s0], [sflag:$0x9] =	stream.indirect.gather [hbm4b:s4+s13], $0x10, s22, s13, $0xb8;
	[tilespmem:$0xED20] =	vst v63  }
.Ltmp1:
0xe0: {  	_ = 	snop;
	(pc) =	sbr.rel @p1 .LBB2_4-.Ltmp1, $4  }
0xe1: {  	s12 =	simm.s32 $0x8E80;
	s0 =	simm.s32 $0x14  }
0xe2: {  	_ =	swait.ge [sflag:s0], $0x7D0  }
0xe3: {  	[sflag:s0] =	ssyncset.done $0x0  }
0xe4: {  	s20 =	sadd.s32 $0x980, s20;
	[sflag:s0] =	ssyncadd.s32 $0xFFFFF830  }
0xe5: {  	s22 =	simm.s32 $0x9650  }
0xe6: {  	[tilespmem:s22], [sflag:$0xA] =	stream.indirect.gather [hbm4b:s4+s13], $0x10, s20, s13, $0xb8;
	[tilespmem:$0xED20] =	vst v63  }
0xe7: {  	_ =	swait.ge [sflag:s30], $0x7D0  }
0xe8: {  	[sflag:s30] =	ssyncset.done $0x0  }
0xe9: {  	s18 =	simm.s32 $0x4B00;
	s0 =	simm.s32 $0x2;
	[sflag:s30] =	ssyncadd.s32 $0xFFFFF830  }
0xea: {  	[spmem:s1] =	stream.indirect.scatter.add.f32 [tilespmem:s19], [sflag:$0xB], $0x10, s18, s13, $0xb8;
	[tilespmem:$0xED20] =	vst v63  }
0xeb: {  	_ =	swait.ge [sflag:s0], $0x7D0  }
0xec: {  	[sflag:s0] =	ssyncset.done $0x0  }
0xed: {  	s18 =	simm.s32 $0x3;
	[sflag:s0] =	ssyncadd.s32 $0xFFFFF830;
	s0 =	simm.s32 $0x4B80  }
0xee: {  	[spmem:s1] =	stream.indirect.scatter.add.f32 [tilespmem:s26], [sflag:$0xC], $0x10, s0, s13, $0xb8;
	[tilespmem:$0xED20] =	vst v63  }
0xef: {  	_ =	swait.ge [sflag:s18], $0x7D0  }
0xf0: {  	[sflag:s18] =	ssyncset.done $0x0  }
0xf1: {  	s20 =	simm.s32 $0x4;
	s19 =	simm.s32 $0x4C00;
	[sflag:s18] =	ssyncadd.s32 $0xFFFFF830  }
0xf2: {  	[spmem:s1] =	stream.indirect.scatter.add.f32 [tilespmem:s23], [sflag:$0xD], $0x10, s19, s13, $0xb8;
	[tilespmem:$0xED20] =	vst v63  }
0xf3: {  	_ =	swait.ge [sflag:s20], $0x7D0  }
0xf4: {  	[sflag:s20] =	ssyncset.done $0x0  }
0xf5: {  	s26 =	simm.s32 $0x5;
	s23 =	simm.s32 $0x4C80;
	[sflag:s20] =	ssyncadd.s32 $0xFFFFF830  }
0xf6: {  	[spmem:s1] =	stream.indirect.scatter.add.f32 [tilespmem:s21], [sflag:$0xE], $0x10, s23, s13, $0xb8;
	[tilespmem:$0xED20] =	vst v63  }
0xf7: {  	_ =	swait.ge [sflag:s26], $0x7D0  }
0xf8: {  	[sflag:s26] =	ssyncset.done $0x0  }
0xf9: {  	s18 =	simm.s32 $0x4D00;
	[sflag:s26] =	ssyncadd.s32 $0xFFFFF830  }
0xfa: {  	[spmem:s1] =	stream.indirect.scatter.add.f32 [tilespmem:s17], [sflag:$0xF], $0x10, s18, s13, $0xb8;
	[tilespmem:$0xED20] =	vst v63  }
0xfb: {  	_ =	swait.ge [sflag:s29], $0x7D0  }
0xfc: {  	[sflag:s29] =	ssyncset.done $0x0  }
0xfd: {  	s19 =	simm.s32 $0x4D80;
	[sflag:s29] =	ssyncadd.s32 $0xFFFFF830  }
0xfe: {  	[spmem:s1] =	stream.indirect.scatter.add.f32 [tilespmem:s15], [sflag:$0x10], $0x10, s19, s13, $0xb8;
	[tilespmem:$0xED20] =	vst v63  }
0xff: {  	_ =	swait.ge [sflag:s31], $0x7D0  }
0x100: {  	[sflag:s31] =	ssyncset.done $0x0  }
0x101: {  	s20 =	simm.s32 $0x4E00;
	[sflag:s31] =	ssyncadd.s32 $0xFFFFF830  }
0x102: {  	[spmem:s1] =	stream.indirect.scatter.add.f32 [tilespmem:s24], [sflag:$0x11], $0x10, s20, s13, $0xb8;
	[tilespmem:$0xED20] =	vst v63  }
0x103: {  	_ =	swait.ge [sflag:s11], $0x7D0  }
0x104: {  	[sflag:s11] =	ssyncset.done $0x0  }
0x105: {  	s21 =	simm.s32 $0x4E80;
	[sflag:s11] =	ssyncadd.s32 $0xFFFFF830  }
0x106: {  	[spmem:s1] =	stream.indirect.scatter.add.f32 [tilespmem:s28], [sflag:$0x12], $0x10, s21, s13, $0xb8;
	[tilespmem:$0xED20] =	vst v63  }
0x107: {  	_ =	swait.ge [sflag:s2], $0x7D0  }
0x108: {  	[sflag:s2] =	ssyncset.done $0x0  }
0x109: {  	s23 =	simm.s32 $0x4F00;
	[sflag:s2] =	ssyncadd.s32 $0xFFFFF830  }
0x10a: {  	[spmem:s1] =	stream.indirect.scatter.add.f32 [tilespmem:s12], [sflag:$0x13], $0x10, s23, s13, $0xb8;
	[tilespmem:$0xED20] =	vst v63  }
0x10b: {  	_ =	swait.ge [sflag:s3], $0x7D0  }
0x10c: {  	[sflag:s3] =	ssyncset.done $0x0  }
0x10d: {  	s24 =	simm.s32 $0x4F80;
	[sflag:s3] =	ssyncadd.s32 $0xFFFFF830  }
0x10e: {  	[spmem:s1] =	stream.indirect.scatter.add.f32 [tilespmem:s22], [sflag:$0x14], $0x10, s24, s13, $0xb8;
	[tilespmem:$0xED20] =	vst v63  }
0x10f: {  	_ =	swait.ge [sflag:s5], $0x7D0  }
0x110: {  	[sflag:s5] =	ssyncset.done $0x0  }
0x111: {  	[sflag:s5] =	ssyncadd.s32 $0xFFFFF830  }
0x112: {  	_ =	swait.ge [sflag:s6], $0x7D0  }
0x113: {  	[sflag:s6] =	ssyncset.done $0x0  }
0x114: {  	[sflag:s6] =	ssyncadd.s32 $0xFFFFF830  }
0x115: {  	_ =	swait.ge [sflag:s7], $0x7D0  }
0x116: {  	[sflag:s7] =	ssyncset.done $0x0  }
0x117: {  	[sflag:s7] =	ssyncadd.s32 $0xFFFFF830  }
0x118: {  	_ =	swait.ge [sflag:s8], $0x7D0  }
0x119: {  	[sflag:s8] =	ssyncset.done $0x0  }
0x11a: {  	[sflag:s8] =	ssyncadd.s32 $0xFFFFF830  }
0x11b: {  	_ =	swait.ge [sflag:s9], $0x7D0  }
0x11c: {  	[sflag:s9] =	ssyncset.done $0x0  }
0x11d: {  	[sflag:s9] =	ssyncadd.s32 $0xFFFFF830  }
0x11e: {  	_ =	swait.ge [sflag:s25], $0x7D0  }
0x11f: {  	[sflag:s25] =	ssyncset.done $0x0  }
0x120: {  	[sflag:s25] =	ssyncadd.s32 $0xFFFFF830  }
0x121: {  	_ =	swait.ge [sflag:s10], $0x7D0  }
0x122: {  	[sflag:s10] =	ssyncset.done $0x0  }
0x123: {  	[sflag:s10] =	ssyncadd.s32 $0xFFFFF830  }
0x124: {  	_ =	swait.ge [sflag:s14], $0x7D0  }
0x125: {  	[sflag:s14] =	ssyncset.done $0x0  }
0x126: {  	[sflag:s14] =	ssyncadd.s32 $0xFFFFF830  }
0x127: {  	_ =	swait.ge [sflag:s16], $0x7D0  }
0x128: {  	[sflag:s16] =	ssyncset.done $0x0  }
0x129: {  	s25 =	simm.s32 $0x14;
	[sflag:s16] =	ssyncadd.s32 $0xFFFFF830  }
0x12a: {  	_ =	swait.ge [sflag:s25], $0x7D0  }
0x12b: {  	[sflag:s25] =	ssyncset.done $0x0  }
0x12c: {  	[sflag:s25] =	ssyncadd.s32 $0xFFFFF830  }
0x12d: {  	s18 =	stileid.u32;
	[bflag:$0x0] =	sbarrier.arrive $0xFFFF  }
0x12e: {  	s18 =	sshll.u32 @!p0 s18, $0x6;
	s20 =	rddreg [dreg:$0x7]  }
0x12f: {  	s18 =	sor.u32 @!p0 $0x1C15, s18;
	s0 =	rddreg [dreg:$0x9]  }
0x130: {  	[hbm:s20], [sflag:s18] =	dma.local @!p0 [spmem:s0], $0x7D0  }
0x131: {  	s18 =	simm.s32 @!p0 $0x15  }
0x132: {  	_ =	swait.ge @!p0 [sflag:s18], $0x7D0  }
0x133: {  	s17 =	simm.s32 $0x6;
	s26 =	rddreg [dreg:$0xa]  }
0x134: {  	s19 =	simm.s32 $0x14;
	s29 =	rddreg [dreg:$0x8];
	s0 =	sadd.s32 $0x1, s26  }
0x135: {  	s11 =	simm.s32 $0x8;
	s28 =	simm.s32 $0x7;
	p1 =	sne.s32 s0, s29  }
.Ltmp2:
0x136: {  	s2 =	simm.s32 $0x9;
	s3 =	simm.s32 $0xA;
	(pc) =	sbr.rel @p1 .LBB2_1-.Ltmp2, $4  }
0x137: {  	s22 =	simm.s32 $0x15;
	s5 =	simm.s32 $0xB;
	s6 =	simm.s32 $0xC  }
0x138: {  	s7 =	simm.s32 $0xD;
	s8 =	simm.s32 $0xE;
	s9 =	simm.s32 $0xF  }
0x139: {  	s10 =	simm.s32 $0x11;
	s14 =	simm.s32 $0x12;
	[sflag:s18] =	ssyncset.done @!p0 $0x0  }
0x13a: {  	s16 =	simm.s32 $0x13;
	s25 =	simm.s32 $0x10;
	[sflag:s18] =	ssyncadd.s32 @!p0 $0xFFFFF830  }
0x13b: {  	_ =	sfence.sel $0x180000  }
0x13c: {  	[bflag:$0x0] =	sbarrier.arrive $0xFFFF  }
0x13d: {  	_ =	strace $0x90000047  }
0x13e: {  	s0 =	stileid.u32;
	[bflag:$0x2] =	sbarrier.arrive $0xFFFF  }
0x13f: {  	p0 =	sne.s32 s0, $0x0;
	s0 =	rddreg [dreg:$0x3]  }
0x140: {  	s0 =	sadd.s32 @!p0 $0x100000, s0  }
0x141: {  	[sflag:s0] =	ssyncadd.tile.s32 @!p0 $0x1;
	_ =	shalt  }
.Lfunc_end2:
_tile_overlayer_lowered:
.L_overlay_start_2:
0x142: {  	(tag) =	ssettag $0x2  }
0x143: {  	s0 =	rddreg [dreg:$0x0];
	s2 =	stileid.u32  }
0x144: {  	s1 =	rddreg [dreg:$0x1];
	p0 =	sne.s32 s2, $0x0  }
0x145: {  	s3 =	rddreg [dreg:$0x2];
	[bflag:$0x3] =	sbarrier.arrive $0xFFFF;
	s2 =	simm.s32 @!p0 $0x1C15  }
0x146: {  	[timem:s3], [sflag:s2] =	dma.local @!p0 [hbm:s0], s1  }
0x147: {  	s0 =	simm.s32 @!p0 $0x15  }
0x148: {  	_ =	swait.ge @!p0 [sflag:s0], s1  }
0x149: {  	s1 =	ssub.s32 @!p0 $0x0, s1;
	[sflag:s0] =	ssyncset.done @!p0 $0x0  }
0x14a: {  	[sflag:s0] =	ssyncadd.s32 @!p0 s1  }
0x14b: {  	[bflag:$0x3] =	sbarrier.arrive $0xFFFF  }
0x14c: {  	_ =	shalt  }

</sc_bundles>
